<compile_context>
chip_gen: v7x
topology: tpu7x:2x2x1
jax: 0.10.2.dev20260603
libtpu: 0.0.44.dev20260713+nightly
codegen_flags: <defaults>
</compile_context>

<pallas_src>
import functools

import jax
import jax.numpy as jnp
from jax import lax
from jax.experimental import pallas as pl
from jax.experimental.pallas import tpu as pltpu
from jax.experimental.pallas import tpu_sc as plsc

EMBED_D = 316
BATCH = 4096
HIST = 20
B_TOTAL = BATCH * HIST
NUM_CORES = 2
NUM_SUBCORES = 16
NW = NUM_CORES * NUM_SUBCORES
B_PER_W = B_TOTAL // NW
CHUNK = 40
N_CHUNKS = B_PER_W // CHUNK

_mesh = plsc.VectorSubcoreMesh(core_axis_name="c", subcore_axis_name="s")


@functools.partial(
    pl.kernel,
    mesh=_mesh,
    out_type=jax.ShapeDtypeStruct((B_TOTAL, EMBED_D), jnp.float32),
    scratch_types=[
        pltpu.VMEM((B_PER_W,), jnp.int32),
        pltpu.VMEM((CHUNK, EMBED_D), jnp.float32),
        pltpu.VMEM((CHUNK, EMBED_D), jnp.float32),
        pltpu.SemaphoreType.DMA,
        pltpu.SemaphoreType.DMA,
        pltpu.SemaphoreType.DMA,
        pltpu.SemaphoreType.DMA,
    ],
    compiler_params=pltpu.CompilerParams(
        use_tc_tiling_on_sc=True, needs_layout_passes=False
    ),
)
def _gather_kernel(idx_hbm, table_hbm, out_hbm, idx_v,
                   packed0_v, packed1_v, sem0, sem1, wsem0, wsem1):
    wid = lax.axis_index("s") * NUM_CORES + lax.axis_index("c")
    base = wid * B_PER_W
    packs = (packed0_v, packed1_v)
    sems = (sem0, sem1)
    wsems = (wsem0, wsem1)
    lanes = lax.iota(jnp.int32, 16)

    pltpu.sync_copy(idx_hbm.at[pl.ds(base, B_PER_W)], idx_v)

    def out_window(c):
        return out_hbm.at[pl.ds(base + c * CHUNK, CHUNK)]

    def issue(c, slot):
        packed = packs[slot]
        sem = sems[slot]

        def row(r, carry):
            a = jnp.max(plsc.load_gather(idx_v, [lanes * 0 + c * CHUNK + r]))
            pltpu.async_copy(table_hbm.at[pl.ds(a, 1)],
                             packed.at[pl.ds(r, 1)], sem)
            return carry

        lax.fori_loop(0, CHUNK, row, 0)

    def process(c, slot):
        packed = packs[slot]
        pltpu.make_async_copy(table_hbm.at[pl.ds(0, CHUNK)], packed,
                              sems[slot]).wait()

        @pl.when(c >= 2)
        def _():
            pltpu.make_async_copy(packed, out_window(c), wsems[slot]).wait()

        pltpu.async_copy(packed, out_window(c), wsems[slot])

    issue(0, 0)

    def pair(g, carry):
        c = 2 * g

        @pl.when(c + 1 < N_CHUNKS)
        def _():
            issue(c + 1, 1)

        process(c, 0)

        @pl.when(c + 2 < N_CHUNKS)
        def _():
            issue(c + 2, 0)

        @pl.when(c + 1 < N_CHUNKS)
        def _():
            process(c + 1, 1)

        return carry

    lax.fori_loop(0, N_CHUNKS // 2, pair, 0)

    pltpu.make_async_copy(packed0_v, out_window(N_CHUNKS - 2), wsem0).wait()
    pltpu.make_async_copy(packed1_v, out_window(N_CHUNKS - 1), wsem1).wait()


def kernel(indices, table):
    flat_idx = indices.reshape(-1)
    out = _gather_kernel(flat_idx, table)
    return out.reshape(indices.shape + (table.shape[1],))

# --- scband reference (transcript-rebuilt; emitter-appended) ---
"""Pipeline reference for scband-custom-embed-24592982737264 (READ-ONLY COPY).

The authoritative reference and input builder live on the scoring server;
editing this copy changes nothing except your own understanding.
"""

import jax, jax.numpy as jnp
import numpy as np

VOCAB_SIZE = 100000
EMBED_DIM = 316  # int(math.sqrt(100000))
BATCH = 4096
HIST = 20


def setup_inputs(seed: int = 0) -> dict:
    key = jax.random.key(seed)
    k1, k2 = jax.random.split(key)
    # StringLookup(vocabulary=vocab, num_oov_indices=0) maps each vocab string to a
    # unique index in [0, VOCAB_SIZE). We model its output directly as integer ids.
    indices = jax.random.randint(k1, (BATCH, HIST), 0, VOCAB_SIZE, dtype=jnp.int32)
    # Embedding table: keras Embedding default uniform(-0.05, 0.05) initializer.
    table = jax.random.uniform(k2, (VOCAB_SIZE, EMBED_DIM), dtype=jnp.float32, minval=-0.05, maxval=0.05)
    return {"indices": indices, "table": table}


def reference(indices, table):
    # CustomEmbed.call: custom_embed(stringLookUp(input)) -> pure embedding gather
    return jnp.take(table, indices, axis=0)

if __name__ == "__main__":
    import jax
    _d = setup_inputs()
    print(jax.jit(kernel)(*tuple(_d.values())))

</pallas_src>

<mosaic_0001>
#map = affine_map<(d0, d1) -> (0)>
#map1 = affine_map<(d0, d1) -> (0, 0)>
module attributes {stable_mosaic.version = 14 : i64} {
  func.func @_gather_kernel(%arg0: i32, %arg1: i32, %arg2: memref<81920xi32, #tpu.memory_space<hbm>>, %arg3: memref<100000x316xf32, #tpu.memory_space<hbm>>, %arg4: memref<81920x316xf32, #tpu.memory_space<hbm>>, %arg5: memref<2560xi32, #tpu.memory_space<vmem>>, %arg6: memref<40x316xf32, #tpu.memory_space<vmem>>, %arg7: memref<40x316xf32, #tpu.memory_space<vmem>>, %arg8: memref<!tpu.dma_semaphore, #tpu.memory_space<semaphore_mem>>, %arg9: memref<!tpu.dma_semaphore, #tpu.memory_space<semaphore_mem>>, %arg10: memref<!tpu.dma_semaphore, #tpu.memory_space<semaphore_mem>>, %arg11: memref<!tpu.dma_semaphore, #tpu.memory_space<semaphore_mem>>) attributes {dimension_semantics = [#tpu.dimension_semantics<core_parallel>, #tpu.dimension_semantics<subcore_parallel>], iteration_bounds = array<i64: 2, 16>, scalar_prefetch = 0 : i64, scratch_operands = 7 : i64, tpu.core_type = #tpu.core_type<sc_vector_subcore>, window_params = [{transform_indices = #map}, {transform_indices = #map1}, {transform_indices = #map1}]} {
    %mul3A = arith.constant 2 : i32
    %mul3A_0 = arith.muli %arg1, %mul3A : i32
    %add3A = arith.addi %mul3A_0, %arg0 : i32
    %mul3A_1 = arith.constant 2560 : i32
    %mul3A_2 = arith.muli %add3A, %mul3A_1 : i32
    %iota3A = tpu.iota {dimensions = array<i32: 0>} : vector<16xi32>
    "tpu.region"() ({
      %run_scoped3A = tpu.sem_alloc : memref<!tpu.dma_semaphore, #tpu.memory_space<semaphore_mem>>
      %dma_start3A = tpu.memref_slice %arg2[%mul3A_2] : memref<81920xi32, #tpu.memory_space<hbm>> -> memref<2560xi32, #tpu.memory_space<hbm>>
      %dma_start3A_25 = tpu.memref_slice %arg2[%mul3A_2] : memref<81920xi32, #tpu.memory_space<hbm>> -> memref<2560xi32, #tpu.memory_space<hbm>>
      tpu.enqueue_dma source(%dma_start3A_25 : memref<2560xi32, #tpu.memory_space<hbm>>) target(%arg5 : memref<2560xi32, #tpu.memory_space<vmem>>) target_semaphore(%run_scoped3A : memref<!tpu.dma_semaphore, #tpu.memory_space<semaphore_mem>>)
      %dma_wait3A_26 = tpu.memref_slice %arg2[%mul3A_2] : memref<81920xi32, #tpu.memory_space<hbm>> -> memref<2560xi32, #tpu.memory_space<hbm>>
      %dma_wait3A_27 = tpu.memref_slice %arg2[%mul3A_2] : memref<81920xi32, #tpu.memory_space<hbm>> -> memref<2560xi32, #tpu.memory_space<hbm>>
      tpu.wait_dma2 semaphore(%run_scoped3A : memref<!tpu.dma_semaphore, #tpu.memory_space<semaphore_mem>>) src(%dma_wait3A_27 : memref<2560xi32, #tpu.memory_space<hbm>>) dst(%arg5 : memref<2560xi32, #tpu.memory_space<vmem>>)
      tpu.yield
    }) : () -> ()
    %scan3A = arith.constant 0 : i32
    %scan3A_3 = arith.constant 0 : i32
    %scan3A_4 = arith.constant 40 : i32
    %scan3A_5 = arith.addi %scan3A_3, %scan3A_4 : i32
    %scan3A_6 = arith.constant 1 : i32
    scf.for %scan3A_25 = %scan3A_3 to %scan3A_5 step %scan3A_6  : i32 {
      %mul3A_26 = arith.constant 0 : i32
      %mul3A_27 = vector.broadcast %mul3A_26 : i32 to vector<16xi32>
      %mul3A_28 = arith.muli %iota3A, %mul3A_27 : vector<16xi32>
      %add3A_29 = arith.constant 0 : i32
      %add3A_30 = vector.broadcast %add3A_29 : i32 to vector<16xi32>
      %add3A_31 = arith.addi %mul3A_28, %add3A_30 : vector<16xi32>
      %add3A_32 = vector.broadcast %scan3A_25 : i32 to vector<16xi32>
      %add3A_33 = arith.addi %add3A_31, %add3A_32 : vector<16xi32>
      %gather3A = tpu.vector_load_idx %arg5[%add3A_33] : memref<2560xi32, #tpu.memory_space<vmem>>[vector<16xi32>], vector<16xi32>,
      %reduce_max3A = arith.constant true
      %reduce_max3A_34 = vector.broadcast %reduce_max3A : i1 to vector<16xi1>
      %reduce_max3A_35 = arith.constant -2147483648 : i32
      %reduce_max3A_36 = vector.broadcast %reduce_max3A_35 : i32 to vector<16xi32>
      %reduce_max3A_37 = arith.xori %gather3A, %reduce_max3A_36 : vector<16xi32>
      %reduce_max3A_38 = tpu.scan <max>, %reduce_max3A_37 masked %reduce_max3A_34 : vector<16xi32>, vector<16xi1> -> vector<16xi32>
      %reduce_max3A_39 = arith.xori %reduce_max3A_38, %reduce_max3A_36 : vector<16xi32>
      %reduce_max3A_40 = vector.extract %reduce_max3A_39[15] : i32 from vector<16xi32>
      %dma_start3A = arith.constant 0 : i32
      %dma_start3A_41 = tpu.memref_slice %arg6[%scan3A_25, %dma_start3A] : memref<40x316xf32, #tpu.memory_space<vmem>> -> memref<1x316xf32, #tpu.memory_space<vmem>>
      %dma_start3A_42 = arith.constant 0 : i32
      %dma_start3A_43 = tpu.memref_slice %arg3[%reduce_max3A_40, %dma_start3A_42] : memref<100000x316xf32, #tpu.memory_space<hbm>> -> memref<1x316xf32, #tpu.memory_space<hbm>>
      %dma_start3A_44 = arith.constant 0 : i32
      %dma_start3A_45 = tpu.memref_slice %arg6[%scan3A_25, %dma_start3A_44] : memref<40x316xf32, #tpu.memory_space<vmem>> -> memref<1x316xf32, #tpu.memory_space<vmem>>
      %dma_start3A_46 = arith.constant 0 : i32
      %dma_start3A_47 = tpu.memref_slice %arg3[%reduce_max3A_40, %dma_start3A_46] : memref<100000x316xf32, #tpu.memory_space<hbm>> -> memref<1x316xf32, #tpu.memory_space<hbm>>
      tpu.enqueue_dma source(%dma_start3A_47 : memref<1x316xf32, #tpu.memory_space<hbm>>) target(%dma_start3A_45 : memref<1x316xf32, #tpu.memory_space<vmem>>) target_semaphore(%arg8 : memref<!tpu.dma_semaphore, #tpu.memory_space<semaphore_mem>>)
    }
    %scan3A_7 = arith.constant 40 : i32
    %scan3A_8 = arith.constant 0 : i32
    %scan3A_9 = arith.constant 0 : i32
    %scan3A_10 = arith.constant 32 : i32
    %scan3A_11 = arith.addi %scan3A_9, %scan3A_10 : i32
    %scan3A_12 = arith.constant 1 : i32
    scf.for %scan3A_25 = %scan3A_9 to %scan3A_11 step %scan3A_12  : i32 {
      %mul3A_26 = arith.constant 2 : i32
      %mul3A_27 = arith.muli %mul3A_26, %scan3A_25 : i32
      %add3A_28 = arith.constant 1 : i32
      %add3A_29 = arith.addi %mul3A_27, %add3A_28 : i32
      %lt3A = arith.constant 64 : i32
      %lt3A_30 = arith.cmpi slt, %add3A_29, %lt3A : i32
      %convert_element_type3A = arith.extui %lt3A_30 : i1 to i32
      %cond3A = arith.constant 0 : i32
      %cond3A_31 = arith.cmpi ne, %convert_element_type3A, %cond3A : i32
      scf.if %cond3A_31 {
        %add3A_62 = arith.constant 1 : i32
        %add3A_63 = arith.addi %mul3A_27, %add3A_62 : i32
        %scan3A_64 = arith.constant 0 : i32
        %scan3A_65 = arith.constant 0 : i32
        %scan3A_66 = arith.constant 40 : i32
        %scan3A_67 = arith.addi %scan3A_65, %scan3A_66 : i32
        %scan3A_68 = arith.constant 1 : i32
        scf.for %scan3A_70 = %scan3A_65 to %scan3A_67 step %scan3A_68  : i32 {
          %mul3A_71 = arith.constant 0 : i32
          %mul3A_72 = vector.broadcast %mul3A_71 : i32 to vector<16xi32>
          %mul3A_73 = arith.muli %iota3A, %mul3A_72 : vector<16xi32>
          %mul3A_74 = arith.constant 40 : i32
          %mul3A_75 = arith.muli %add3A_63, %mul3A_74 : i32
          %add3A_76 = vector.broadcast %mul3A_75 : i32 to vector<16xi32>
          %add3A_77 = arith.addi %mul3A_73, %add3A_76 : vector<16xi32>
          %add3A_78 = vector.broadcast %scan3A_70 : i32 to vector<16xi32>
          %add3A_79 = arith.addi %add3A_77, %add3A_78 : vector<16xi32>
          %gather3A = tpu.vector_load_idx %arg5[%add3A_79] : memref<2560xi32, #tpu.memory_space<vmem>>[vector<16xi32>], vector<16xi32>,
          %reduce_max3A = arith.constant true
          %reduce_max3A_80 = vector.broadcast %reduce_max3A : i1 to vector<16xi1>
          %reduce_max3A_81 = arith.constant -2147483648 : i32
          %reduce_max3A_82 = vector.broadcast %reduce_max3A_81 : i32 to vector<16xi32>
          %reduce_max3A_83 = arith.xori %gather3A, %reduce_max3A_82 : vector<16xi32>
          %reduce_max3A_84 = tpu.scan <max>, %reduce_max3A_83 masked %reduce_max3A_80 : vector<16xi32>, vector<16xi1> -> vector<16xi32>
          %reduce_max3A_85 = arith.xori %reduce_max3A_84, %reduce_max3A_82 : vector<16xi32>
          %reduce_max3A_86 = vector.extract %reduce_max3A_85[15] : i32 from vector<16xi32>
          %dma_start3A_87 = arith.constant 0 : i32
          %dma_start3A_88 = tpu.memref_slice %arg7[%scan3A_70, %dma_start3A_87] : memref<40x316xf32, #tpu.memory_space<vmem>> -> memref<1x316xf32, #tpu.memory_space<vmem>>
          %dma_start3A_89 = arith.constant 0 : i32
          %dma_start3A_90 = tpu.memref_slice %arg3[%reduce_max3A_86, %dma_start3A_89] : memref<100000x316xf32, #tpu.memory_space<hbm>> -> memref<1x316xf32, #tpu.memory_space<hbm>>
          %dma_start3A_91 = arith.constant 0 : i32
          %dma_start3A_92 = tpu.memref_slice %arg7[%scan3A_70, %dma_start3A_91] : memref<40x316xf32, #tpu.memory_space<vmem>> -> memref<1x316xf32, #tpu.memory_space<vmem>>
          %dma_start3A_93 = arith.constant 0 : i32
          %dma_start3A_94 = tpu.memref_slice %arg3[%reduce_max3A_86, %dma_start3A_93] : memref<100000x316xf32, #tpu.memory_space<hbm>> -> memref<1x316xf32, #tpu.memory_space<hbm>>
          tpu.enqueue_dma source(%dma_start3A_94 : memref<1x316xf32, #tpu.memory_space<hbm>>) target(%dma_start3A_92 : memref<1x316xf32, #tpu.memory_space<vmem>>) target_semaphore(%arg9 : memref<!tpu.dma_semaphore, #tpu.memory_space<semaphore_mem>>)
        }
        %scan3A_69 = arith.constant 40 : i32
      } else {
      }
      %dma_wait3A_32 = arith.constant 0 : i32
      %dma_wait3A_33 = arith.constant 0 : i32
      %dma_wait3A_34 = tpu.memref_slice %arg3[%dma_wait3A_32, %dma_wait3A_33] : memref<100000x316xf32, #tpu.memory_space<hbm>> -> memref<40x316xf32, #tpu.memory_space<hbm>>
      %dma_wait3A_35 = arith.constant 0 : i32
      %dma_wait3A_36 = arith.constant 0 : i32
      %dma_wait3A_37 = tpu.memref_slice %arg3[%dma_wait3A_35, %dma_wait3A_36] : memref<100000x316xf32, #tpu.memory_space<hbm>> -> memref<40x316xf32, #tpu.memory_space<hbm>>
      tpu.wait_dma2 semaphore(%arg8 : memref<!tpu.dma_semaphore, #tpu.memory_space<semaphore_mem>>) src(%dma_wait3A_37 : memref<40x316xf32, #tpu.memory_space<hbm>>) dst(%arg6 : memref<40x316xf32, #tpu.memory_space<vmem>>)
      %ge3A = arith.constant 2 : i32
      %ge3A_38 = arith.cmpi sge, %mul3A_27, %ge3A : i32
      %convert_element_type3A_39 = arith.extui %ge3A_38 : i1 to i32
      %cond3A_40 = arith.constant 0 : i32
      %cond3A_41 = arith.cmpi ne, %convert_element_type3A_39, %cond3A_40 : i32
      scf.if %cond3A_41 {
        %mul3A_62 = arith.constant 40 : i32
        %mul3A_63 = arith.muli %mul3A_27, %mul3A_62 : i32
        %add3A_64 = arith.addi %mul3A_2, %mul3A_63 : i32
        %dma_wait3A_65 = arith.constant 0 : i32
        %dma_wait3A_66 = tpu.memref_slice %arg4[%add3A_64, %dma_wait3A_65] : memref<81920x316xf32, #tpu.memory_space<hbm>> -> memref<40x316xf32, #tpu.memory_space<hbm>>
        %dma_wait3A_67 = arith.constant 0 : i32
        %dma_wait3A_68 = tpu.memref_slice %arg4[%add3A_64, %dma_wait3A_67] : memref<81920x316xf32, #tpu.memory_space<hbm>> -> memref<40x316xf32, #tpu.memory_space<hbm>>
        tpu.wait_dma2 semaphore(%arg10 : memref<!tpu.dma_semaphore, #tpu.memory_space<semaphore_mem>>) src(%arg6 : memref<40x316xf32, #tpu.memory_space<vmem>>) dst(%dma_wait3A_68 : memref<40x316xf32, #tpu.memory_space<hbm>>)
      } else {
      }
      %mul3A_42 = arith.constant 40 : i32
      %mul3A_43 = arith.muli %mul3A_27, %mul3A_42 : i32
      %add3A_44 = arith.addi %mul3A_2, %mul3A_43 : i32
      %dma_start3A = arith.constant 0 : i32
      %dma_start3A_45 = tpu.memref_slice %arg4[%add3A_44, %dma_start3A] : memref<81920x316xf32, #tpu.memory_space<hbm>> -> memref<40x316xf32, #tpu.memory_space<hbm>>
      %dma_start3A_46 = arith.constant 0 : i32
      %dma_start3A_47 = tpu.memref_slice %arg4[%add3A_44, %dma_start3A_46] : memref<81920x316xf32, #tpu.memory_space<hbm>> -> memref<40x316xf32, #tpu.memory_space<hbm>>
      tpu.enqueue_dma source(%arg6 : memref<40x316xf32, #tpu.memory_space<vmem>>) target(%dma_start3A_47 : memref<40x316xf32, #tpu.memory_space<hbm>>) target_semaphore(%arg10 : memref<!tpu.dma_semaphore, #tpu.memory_space<semaphore_mem>>)
      %add3A_48 = arith.constant 2 : i32
      %add3A_49 = arith.addi %mul3A_27, %add3A_48 : i32
      %lt3A_50 = arith.constant 64 : i32
      %lt3A_51 = arith.cmpi slt, %add3A_49, %lt3A_50 : i32
      %convert_element_type3A_52 = arith.extui %lt3A_51 : i1 to i32
      %cond3A_53 = arith.constant 0 : i32
      %cond3A_54 = arith.cmpi ne, %convert_element_type3A_52, %cond3A_53 : i32
      scf.if %cond3A_54 {
        %add3A_62 = arith.constant 2 : i32
        %add3A_63 = arith.addi %mul3A_27, %add3A_62 : i32
        %scan3A_64 = arith.constant 0 : i32
        %scan3A_65 = arith.constant 0 : i32
        %scan3A_66 = arith.constant 40 : i32
        %scan3A_67 = arith.addi %scan3A_65, %scan3A_66 : i32
        %scan3A_68 = arith.constant 1 : i32
        scf.for %scan3A_70 = %scan3A_65 to %scan3A_67 step %scan3A_68  : i32 {
          %mul3A_71 = arith.constant 0 : i32
          %mul3A_72 = vector.broadcast %mul3A_71 : i32 to vector<16xi32>
          %mul3A_73 = arith.muli %iota3A, %mul3A_72 : vector<16xi32>
          %mul3A_74 = arith.constant 40 : i32
          %mul3A_75 = arith.muli %add3A_63, %mul3A_74 : i32
          %add3A_76 = vector.broadcast %mul3A_75 : i32 to vector<16xi32>
          %add3A_77 = arith.addi %mul3A_73, %add3A_76 : vector<16xi32>
          %add3A_78 = vector.broadcast %scan3A_70 : i32 to vector<16xi32>
          %add3A_79 = arith.addi %add3A_77, %add3A_78 : vector<16xi32>
          %gather3A = tpu.vector_load_idx %arg5[%add3A_79] : memref<2560xi32, #tpu.memory_space<vmem>>[vector<16xi32>], vector<16xi32>,
          %reduce_max3A = arith.constant true
          %reduce_max3A_80 = vector.broadcast %reduce_max3A : i1 to vector<16xi1>
          %reduce_max3A_81 = arith.constant -2147483648 : i32
          %reduce_max3A_82 = vector.broadcast %reduce_max3A_81 : i32 to vector<16xi32>
          %reduce_max3A_83 = arith.xori %gather3A, %reduce_max3A_82 : vector<16xi32>
          %reduce_max3A_84 = tpu.scan <max>, %reduce_max3A_83 masked %reduce_max3A_80 : vector<16xi32>, vector<16xi1> -> vector<16xi32>
          %reduce_max3A_85 = arith.xori %reduce_max3A_84, %reduce_max3A_82 : vector<16xi32>
          %reduce_max3A_86 = vector.extract %reduce_max3A_85[15] : i32 from vector<16xi32>
          %dma_start3A_87 = arith.constant 0 : i32
          %dma_start3A_88 = tpu.memref_slice %arg6[%scan3A_70, %dma_start3A_87] : memref<40x316xf32, #tpu.memory_space<vmem>> -> memref<1x316xf32, #tpu.memory_space<vmem>>
          %dma_start3A_89 = arith.constant 0 : i32
          %dma_start3A_90 = tpu.memref_slice %arg3[%reduce_max3A_86, %dma_start3A_89] : memref<100000x316xf32, #tpu.memory_space<hbm>> -> memref<1x316xf32, #tpu.memory_space<hbm>>
          %dma_start3A_91 = arith.constant 0 : i32
          %dma_start3A_92 = tpu.memref_slice %arg6[%scan3A_70, %dma_start3A_91] : memref<40x316xf32, #tpu.memory_space<vmem>> -> memref<1x316xf32, #tpu.memory_space<vmem>>
          %dma_start3A_93 = arith.constant 0 : i32
          %dma_start3A_94 = tpu.memref_slice %arg3[%reduce_max3A_86, %dma_start3A_93] : memref<100000x316xf32, #tpu.memory_space<hbm>> -> memref<1x316xf32, #tpu.memory_space<hbm>>
          tpu.enqueue_dma source(%dma_start3A_94 : memref<1x316xf32, #tpu.memory_space<hbm>>) target(%dma_start3A_92 : memref<1x316xf32, #tpu.memory_space<vmem>>) target_semaphore(%arg8 : memref<!tpu.dma_semaphore, #tpu.memory_space<semaphore_mem>>)
        }
        %scan3A_69 = arith.constant 40 : i32
      } else {
      }
      %add3A_55 = arith.constant 1 : i32
      %add3A_56 = arith.addi %mul3A_27, %add3A_55 : i32
      %lt3A_57 = arith.constant 64 : i32
      %lt3A_58 = arith.cmpi slt, %add3A_56, %lt3A_57 : i32
      %convert_element_type3A_59 = arith.extui %lt3A_58 : i1 to i32
      %cond3A_60 = arith.constant 0 : i32
      %cond3A_61 = arith.cmpi ne, %convert_element_type3A_59, %cond3A_60 : i32
      scf.if %cond3A_61 {
        %add3A_62 = arith.constant 1 : i32
        %add3A_63 = arith.addi %mul3A_27, %add3A_62 : i32
        %dma_wait3A_64 = arith.constant 0 : i32
        %dma_wait3A_65 = arith.constant 0 : i32
        %dma_wait3A_66 = tpu.memref_slice %arg3[%dma_wait3A_64, %dma_wait3A_65] : memref<100000x316xf32, #tpu.memory_space<hbm>> -> memref<40x316xf32, #tpu.memory_space<hbm>>
        %dma_wait3A_67 = arith.constant 0 : i32
        %dma_wait3A_68 = arith.constant 0 : i32
        %dma_wait3A_69 = tpu.memref_slice %arg3[%dma_wait3A_67, %dma_wait3A_68] : memref<100000x316xf32, #tpu.memory_space<hbm>> -> memref<40x316xf32, #tpu.memory_space<hbm>>
        tpu.wait_dma2 semaphore(%arg9 : memref<!tpu.dma_semaphore, #tpu.memory_space<semaphore_mem>>) src(%dma_wait3A_69 : memref<40x316xf32, #tpu.memory_space<hbm>>) dst(%arg7 : memref<40x316xf32, #tpu.memory_space<vmem>>)
        %ge3A_70 = arith.constant 2 : i32
        %ge3A_71 = arith.cmpi sge, %add3A_63, %ge3A_70 : i32
        %convert_element_type3A_72 = arith.extui %ge3A_71 : i1 to i32
        %cond3A_73 = arith.constant 0 : i32
        %cond3A_74 = arith.cmpi ne, %convert_element_type3A_72, %cond3A_73 : i32
        scf.if %cond3A_74 {
          %mul3A_82 = arith.constant 40 : i32
          %mul3A_83 = arith.muli %add3A_63, %mul3A_82 : i32
          %add3A_84 = arith.addi %mul3A_2, %mul3A_83 : i32
          %dma_wait3A_85 = arith.constant 0 : i32
          %dma_wait3A_86 = tpu.memref_slice %arg4[%add3A_84, %dma_wait3A_85] : memref<81920x316xf32, #tpu.memory_space<hbm>> -> memref<40x316xf32, #tpu.memory_space<hbm>>
          %dma_wait3A_87 = arith.constant 0 : i32
          %dma_wait3A_88 = tpu.memref_slice %arg4[%add3A_84, %dma_wait3A_87] : memref<81920x316xf32, #tpu.memory_space<hbm>> -> memref<40x316xf32, #tpu.memory_space<hbm>>
          tpu.wait_dma2 semaphore(%arg11 : memref<!tpu.dma_semaphore, #tpu.memory_space<semaphore_mem>>) src(%arg7 : memref<40x316xf32, #tpu.memory_space<vmem>>) dst(%dma_wait3A_88 : memref<40x316xf32, #tpu.memory_space<hbm>>)
        } else {
        }
        %mul3A_75 = arith.constant 40 : i32
        %mul3A_76 = arith.muli %add3A_63, %mul3A_75 : i32
        %add3A_77 = arith.addi %mul3A_2, %mul3A_76 : i32
        %dma_start3A_78 = arith.constant 0 : i32
        %dma_start3A_79 = tpu.memref_slice %arg4[%add3A_77, %dma_start3A_78] : memref<81920x316xf32, #tpu.memory_space<hbm>> -> memref<40x316xf32, #tpu.memory_space<hbm>>
        %dma_start3A_80 = arith.constant 0 : i32
        %dma_start3A_81 = tpu.memref_slice %arg4[%add3A_77, %dma_start3A_80] : memref<81920x316xf32, #tpu.memory_space<hbm>> -> memref<40x316xf32, #tpu.memory_space<hbm>>
        tpu.enqueue_dma source(%arg7 : memref<40x316xf32, #tpu.memory_space<vmem>>) target(%dma_start3A_81 : memref<40x316xf32, #tpu.memory_space<hbm>>) target_semaphore(%arg11 : memref<!tpu.dma_semaphore, #tpu.memory_space<semaphore_mem>>)
      } else {
      }
    }
    %scan3A_13 = arith.constant 32 : i32
    %add3A_14 = arith.constant 2480 : i32
    %add3A_15 = arith.addi %mul3A_2, %add3A_14 : i32
    %dma_wait3A = arith.constant 0 : i32
    %dma_wait3A_16 = tpu.memref_slice %arg4[%add3A_15, %dma_wait3A] : memref<81920x316xf32, #tpu.memory_space<hbm>> -> memref<40x316xf32, #tpu.memory_space<hbm>>
    %dma_wait3A_17 = arith.constant 0 : i32
    %dma_wait3A_18 = tpu.memref_slice %arg4[%add3A_15, %dma_wait3A_17] : memref<81920x316xf32, #tpu.memory_space<hbm>> -> memref<40x316xf32, #tpu.memory_space<hbm>>
    tpu.wait_dma2 semaphore(%arg10 : memref<!tpu.dma_semaphore, #tpu.memory_space<semaphore_mem>>) src(%arg6 : memref<40x316xf32, #tpu.memory_space<vmem>>) dst(%dma_wait3A_18 : memref<40x316xf32, #tpu.memory_space<hbm>>)
    %add3A_19 = arith.constant 2520 : i32
    %add3A_20 = arith.addi %mul3A_2, %add3A_19 : i32
    %dma_wait3A_21 = arith.constant 0 : i32
    %dma_wait3A_22 = tpu.memref_slice %arg4[%add3A_20, %dma_wait3A_21] : memref<81920x316xf32, #tpu.memory_space<hbm>> -> memref<40x316xf32, #tpu.memory_space<hbm>>
    %dma_wait3A_23 = arith.constant 0 : i32
    %dma_wait3A_24 = tpu.memref_slice %arg4[%add3A_20, %dma_wait3A_23] : memref<81920x316xf32, #tpu.memory_space<hbm>> -> memref<40x316xf32, #tpu.memory_space<hbm>>
    tpu.wait_dma2 semaphore(%arg11 : memref<!tpu.dma_semaphore, #tpu.memory_space<semaphore_mem>>) src(%arg7 : memref<40x316xf32, #tpu.memory_space<vmem>>) dst(%dma_wait3A_24 : memref<40x316xf32, #tpu.memory_space<hbm>>)
    return
  }
}

</mosaic_0001>

<sc_bundles>
// kernel: kernel.3.cloned.1.call-start
scs
__scs_entry_jumppad:
0x0: {  	(pc) =	sbr.rel $0x88, $3  }
0x1: {  	(tag) =	ssettag $0x0;
	lr =	simm.s32 $0x1  }
0x2: {  	[smem:$0x3F9F] =	sst lr;
	_ =	strace $0xD0000000  }
0x3: {  	_ = 	snop  }
0x4: {  	_ = 	snop  }
0x5: {  	_ = 	snop  }
0x6: {  	_ = 	snop  }
0x7: {  	_ = 	snop  }
__scs_overlays_trampoline_lowered:
0x8: {  	[smem:$0x3FAE] =	sst s0  }
0x9: {  	[smem:$0x3FAF] =	sst s1  }
0xa: {  	[smem:$0x3FB0] =	sst s2  }
0xb: {  	[smem:$0x3FB1] =	sst s3  }
0xc: {  	[smem:$0x3FB2] =	sst s4  }
0xd: {  	[smem:$0x3FB3] =	sst s5  }
0xe: {  	[smem:$0x3FB4] =	sst s6  }
0xf: {  	[smem:$0x3FB5] =	sst s7  }
0x10: {  	[smem:$0x3FB6] =	sst s8  }
0x11: {  	[smem:$0x3FB7] =	sst s9;
	s0 =	simm.s32 @!p0 $0x0  }
0x12: {  	s1 =	sld [smem:$0x3F9D];
	s0 =	simm.s32 @p0 $0x1  }
0x13: {  	[smem:$0x3FB8] =	sst s0;
	s0 =	simm.s32 @!p1 $0x0  }
0x14: {  	s2 =	sld [smem:$0x3F9C];
	s0 =	simm.s32 @p1 $0x1  }
0x15: {  	[smem:$0x3FB9] =	sst s0;
	s0 =	simm.s32 @!p2 $0x0  }
0x16: {  	s3 =	sld [smem:$0x3FDB];
	s0 =	simm.s32 @p2 $0x1  }
0x17: {  	s4 =	simm.s32 $0x1BF5;
	[smem:$0x3FBB] =	sst s0  }
0x18: {  	s0 =	sld [smem:$0x3F9E];
	_ =	swait.ge [sflag:s4], $0x0  }
0x19: {  	s7 =	sld [smem:$0x3F9F]  }
0x1a: {  	s8 =	sadd.s32 $0xFFFFE003, lr  }
0x1b: {  	s9 =	sadd.s32 $0xFFFFFEF7, lr;
	s5 =	simm.s32 $0xFFFFFFFF;
	p2 =	slt.u32 s8, $0xFFFFF086  }
0x1c: {  	p1 =	slt.u32 s9, $0xF7A;
	s5 =	simm.s32 @!p2 $0x0  }
0x1d: {  	s5 =	simm.s32 @p1 $0x1;
	p0 =	seq.s32 s7, s2  }
0x1e: {  	s7 =	smul.u32 @!p0 $0xF7A, s2;
	p2 =	seq.s32 @!p0 s5, $0x0  }
0x1f: {  	s9 =	smul.u32 $0xF7A, s1;
	s8 =	simm.s32 @!p0 $0x1BF5;
	p2 =	por !p2, p0  }
0x20: {  	[sflag:s8] =	ssyncset.s32 @!p0 $0xFFFFF086;
	s6 =	sadd.s32 @!p0 s3, s7;
	s7 =	simm.s32 @!p0 $0x108  }
0x21: {  	s3 =	sadd.s32 s3, s9;
	s6 =	sadd.s32 @!p0 $0x88, s6;
	s7 =	simm.s32 @p2 $0x1082  }
0x22: {  	[simem:s7], [sflag:s8] =	dma.local @!p0 [hbm:s6], $0xF7A  }
0x23: {  	s9 =	sor.u32 $0xD0000000, s2;
	s6 =	simm.s32 $0x108;
	_ =	swait.ge @!p0 [sflag:s8], $0x0  }
0x24: {  	s3 =	sadd.s32 $0x88, s3;
	s6 =	simm.s32 @!p1 $0x1082;
	[sflag:s4] =	ssyncset.s32 $0xFFFFF086  }
0x25: {  	[simem:s6], [sflag:s4] =	dma.local [hbm:s3], $0xF7A  }
0x26: {  	[smem:$0x3F9F] =	sst s1;
	(tag) =	ssettag s2;
	_ =	strace s9  }
0x27: {  	s1 =	sld [smem:$0x3FAF]  }
0x28: {  	s2 =	sld [smem:$0x3FB0]  }
0x29: {  	s4 =	sld [smem:$0x3FB2]  }
0x2a: {  	p0 =	seq.s32 s5, $0x0;
	s5 =	sld [smem:$0x3FB3]  }
0x2b: {  	s6 =	sld [smem:$0x3FB4]  }
0x2c: {  	s7 =	sld [smem:$0x3FB5]  }
0x2d: {  	s3 =	simm.s32 $0x108;
	s8 =	sld [smem:$0x3FB6]  }
0x2e: {  	s3 =	simm.s32 @!p0 $0x1082;
	s9 =	sld [smem:$0x3FB7]  }
0x2f: {  	lr =	sadd.s32 s0, s3;
	s0 =	sld [smem:$0x3FAE]  }
0x30: {  	s3 =	sld [smem:$0x3FB1]  }
0x31: {  	[smem:$0x3FBA] =	sst s10  }
0x32: {  	s10 =	sld [smem:$0x3FB8];
	_ =	sdelay $0x3  }
0x33: {  	p0 =	seq.s32 s10, $0x1;
	s10 =	sld [smem:$0x3FBA];
	_ =	sdelay $0x3  }
0x34: {  	[smem:$0x3FBA] =	sst s10  }
0x35: {  	s10 =	sld [smem:$0x3FB9];
	_ =	sdelay $0x3  }
0x36: {  	p1 =	seq.s32 s10, $0x1;
	s10 =	sld [smem:$0x3FBA];
	_ =	sdelay $0x3  }
0x37: {  	[smem:$0x3FBA] =	sst s10  }
0x38: {  	s10 =	sld [smem:$0x3FBB]  }
0x39: {  	_ = 	snop;
	(pc) =	sbr.ind lr, $3  }
0x3a: {  	_ = 	snop  }
0x3b: {  	_ = 	snop  }
0x3c: {  	p2 =	seq.s32 s10, $0x1;
	s10 =	sld [smem:$0x3FBA]  }
0x3d: {  	_ =	shalt  }
0x3e: {  	_ =	shalt  }
0x3f: {  	_ =	shalt  }
0x40: {  	_ =	shalt  }
0x41: {  	_ =	shalt  }
0x42: {  	_ =	shalt  }
0x43: {  	_ =	shalt  }
0x44: {  	_ =	shalt  }
0x45: {  	_ =	shalt  }
0x46: {  	_ =	shalt  }
0x47: {  	_ =	shalt  }
0x48: {  	_ =	shalt  }
0x49: {  	_ =	shalt  }
0x4a: {  	_ =	shalt  }
0x4b: {  	_ =	shalt  }
0x4c: {  	_ =	shalt  }
0x4d: {  	_ =	shalt  }
0x4e: {  	_ =	shalt  }
0x4f: {  	_ =	shalt  }
0x50: {  	_ =	shalt  }
0x51: {  	_ =	shalt  }
0x52: {  	_ =	shalt  }
0x53: {  	_ =	shalt  }
0x54: {  	_ =	shalt  }
0x55: {  	_ =	shalt  }
0x56: {  	_ =	shalt  }
0x57: {  	_ =	shalt  }
0x58: {  	_ =	shalt  }
0x59: {  	_ =	shalt  }
0x5a: {  	_ =	shalt  }
0x5b: {  	_ =	shalt  }
0x5c: {  	_ =	shalt  }
0x5d: {  	_ =	shalt  }
0x5e: {  	_ =	shalt  }
0x5f: {  	_ =	shalt  }
0x60: {  	_ =	shalt  }
0x61: {  	_ =	shalt  }
0x62: {  	_ =	shalt  }
0x63: {  	_ =	shalt  }
0x64: {  	_ =	shalt  }
0x65: {  	_ =	shalt  }
0x66: {  	_ =	shalt  }
0x67: {  	_ =	shalt  }
0x68: {  	_ =	shalt  }
0x69: {  	_ =	shalt  }
0x6a: {  	_ =	shalt  }
0x6b: {  	_ =	shalt  }
0x6c: {  	_ =	shalt  }
0x6d: {  	_ =	shalt  }
0x6e: {  	_ =	shalt  }
0x6f: {  	_ =	shalt  }
0x70: {  	_ =	shalt  }
0x71: {  	_ =	shalt  }
0x72: {  	_ =	shalt  }
0x73: {  	_ =	shalt  }
0x74: {  	_ =	shalt  }
0x75: {  	_ =	shalt  }
0x76: {  	_ =	shalt  }
0x77: {  	_ =	shalt  }
0x78: {  	_ =	shalt  }
0x79: {  	_ =	shalt  }
0x7a: {  	_ =	shalt  }
0x7b: {  	_ =	shalt  }
0x7c: {  	_ =	shalt  }
0x7d: {  	_ =	shalt  }
0x7e: {  	_ =	shalt  }
0x7f: {  	_ =	shalt  }
0x80: {  	_ =	shalt  }
0x81: {  	_ =	shalt  }
0x82: {  	_ =	shalt  }
0x83: {  	_ =	shalt  }
0x84: {  	_ =	shalt  }
0x85: {  	_ =	shalt  }
0x86: {  	_ =	shalt  }
0x87: {  	_ =	shalt  }
.Lfunc_end0:
.L_simem_size_0:
called_computation.1_lowered:
.L_overlay_start_0:
0x88: {  	s2 =	sld [smem:$0x3FD9]  }
0x89: {  	s3 =	sld [smem:$0x3FFE];
	_ =	sdelay $0x1  }
0x8a: {  	s1 =	srdreg.scid  }
0x8b: {  	s0 =	sand.u32 $0x1, s1  }
0x8c: {  	s17 =	sshll.u32 s0, $0xA;
	s2 =	sadd.s32 s3, s2  }
0x8d: {  	s2 =	sadd.s32 s2, s17  }
0x8e: {  	[smem:$0x3FC6] =	sst s2  }
0x8f: {  	_ = 	snop  }
0x90: {  	s2 =	sld [smem:$0x3FD0];
	(tm) =	ssettm $0x1  }
0x91: {  	s18 =	sld [smem:$0x3FFB];
	_ =	sdelay $0x3  }
0x92: {  	_ =	strace s18  }
0x93: {  	s3 =	sld [smem:$0x3FFC];
	_ =	sdelay $0x3  }
0x94: {  	_ =	strace s3  }
0x95: {  	s3 =	sld [smem:$0x3FFD];
	_ =	sdelay $0x3  }
0x96: {  	_ =	strace s3  }
0x97: {  	_ =	strace $0x8FFFFFFF  }
0x98: {  	s19 =	sld [smem:$0x3FDB];
	_ =	sdelay $0x1  }
0x99: {  	s4 =	simm.s32 $_scs_section_size  }
0x9a: {  	s5 =	simm.s32 $_size__tile_overlayer_lowered;
	s6 =	simm.s32 $_tile_overlayer_lowered  }
0x9b: {  	s22 =	simm.s32 $0x1BFF;
	s21 =	sshll.u32 s6, $0x1;
	s3 =	sadd.s32 s4, s19  }
0x9c: {  	s7 =	simm.s32 $0x0;
	s20 =	sshll.u32 s5, $0x1;
	s5 =	sadd.s32 s21, s3  }
0x9d: {  	[timem:s7], [sflag:s22] =	dma.local [hbm:s5], s20  }
0x9e: {  	_ =	swait.ge [sflag:s22], s20  }
0x9f: {  	s4 =	ssub.s32 $0x0, s20;
	[sflag:s22] =	ssyncset.done $0x0  }
0xa0: {  	[sflag:s22] =	ssyncadd.s32 s4;
	_ =	sdelay $0x1  }
0xa1: {  	s23 =	simm.s32 $0x1B8B  }
0xa2: {  	_ =	swait.ge [sflag:s23], $0x1  }
0xa3: {  	[sflag:s23] =	ssyncset.done $0x0  }
0xa4: {  	s25 =	simm.s32 $0x1B8E;
	s24 =	sld [smem:$0x3FFE];
	[sflag:s23] =	ssyncadd.s32 $0xFFFFFFFF  }
0xa5: {  	s26 =	simm.s32 $execute0_lowered;
	[smem:$0x3FD2] =	sst s25  }
0xa6: {  	s5 =	sshll.u32 s26, $0x1;
	_ =	strace $0x80000046;
	[dreg:$0x1] =	wrdreg $0xFFFFFFFF  }
0xa7: {  	s28 =	simm.s32 $_size_execute0_lowered;
	s3 =	sadd.s32 s3, s5;
	[dreg:$0x0] =	wrdreg $0x0  }
0xa8: {  	s5 =	sshll.u32 s28, $0x1;
	[dreg:$0x2] =	wrdreg s3  }
0xa9: {  	[dreg:$0x3] =	wrdreg s5  }
0xaa: {  	[dreg:$0x4] =	wrdreg $0xC0  }
0xab: {  	_ =	task [dreg:s7], $0x5FFFF  }
0xac: {  	[dreg:$0x1] =	wrdreg $0xFFFFFFFF  }
0xad: {  	[dreg:$0x0] =	wrdreg $0x60  }
0xae: {  	[dreg:$0x2] =	wrdreg s2  }
0xaf: {  	[dreg:$0x3] =	wrdreg s24  }
0xb0: {  	[dreg:$0x4] =	wrdreg $0x9  }
0xb1: {  	_ =	task.clear_ibuf [dreg:s7], $0x5FFFF;
	_ =	strace $0x90000046  }
0xb2: {  	s29 =	simm.s32 $0x9;
	_ =	strace $0x80000048  }
0xb3: {  	_ =	swait.ge [sflag:s29], $0x1  }
0xb4: {  	[sflag:s29] =	ssyncadd.s32 $0xFFFFFFFF  }
0xb5: {  	_ =	strace $0x90000048  }
0xb6: {  	_ =	sfence  }
0xb7: {  	s30 =	sld [smem:$0x0];
	_ =	sdelay $0x2  }
0xb8: {  	s31 =	sshll.u32 s1, $0xD;
	s1 =	sshrl.u32 s1, $0x2  }
0xb9: {  	s3 =	sand.u32 $0x4000, s31;
	s1 =	sadd.s32 s1, s30  }
0xba: {  	s0 =	sor.u32 s3, s0;
	s1 =	sshll.u32 s1, $0x11  }
0xbb: {  	s0 =	sor.u32 s1, s0  }
0xbc: {  	s0 =	sadd.s32 $0x8F2B, s0  }
0xbd: {  	[sflag:s0] =	ssyncadd.remote.s32 $0x1  }
0xbe: {  	_ =	sfence.sel $0xFFFF  }
0xbf: {  	[dreg:$0x0] =	wrdreg $0xFFFFFFFF;
	(pc) =	sbr.abs _section_cstart, $3  }
0xc0: {  	[dreg:$0x1] =	wrdreg $0xFFFFFFFF  }
0xc1: {  	_ =	task.clear_ibuf [dreg:s7], $0x2FFFF;
	_ =	strace $0x9FFFFFFF  }
0xc2: {  	(tm) =	ssettm $0x7FFFFFFF  }
0xc3: {  	_ =	shalt  }
tec
execute0_lowered:
.L_overlay_start_1:
0x0: {  	(tag) =	ssettag $0x1  }
0x1: {  	s6 =	rddreg [dreg:$0x0];
	s1 =	srdreg.scid  }
0x2: {  	s0 =	stileid.u32;
	s5 =	rddreg [dreg:$0x1];
	s2 =	simm.s32 $0x0  }
0x3: {  	s10 =	simm.s32 $0xA00;
	s11 =	simm.s32 $0x2;
	s12 =	simm.s32 $0x4  }
0x4: {  	s13 =	simm.s32 $0x4600;
	s14 =	simm.s32 $0x3;
	s15 =	simm.s32 $0x0  }
0x5: {  	s4 =	sand.u32 $0x1, s1;
	s3 =	sshll.u32 s0, $0x1;
	s1 =	rddreg [dreg:$0x2]  }
.Ltmp0:
0x6: {  	[smem:$0x7FF] =	sst s2;
	s3 =	sor.u32 s4, s3;
	(pc) =	sbr.rel .LBB2_1-.Ltmp0, $4  }
0x7: {  	_ =	strace $0x80000047;
	s7 =	ssub.s32 $0x2, s4;
	s3 =	smul.u32 $0xA00, s3  }
0x8: {  	s4 =	sadd.s32 $0x800, s5;
	s5 =	sadd.s32 $0x494600, s5;
	s8 =	sshrl.u32 s7, $0x1  }
0x9: {  	s7 =	ssub.s32 s7, s8;
	s8 =	simm.s32 $0x5;
	s9 =	sshrl.u32 s3, $0x3  }
0xa: {  	s7 =	smax.u32 s7, $0x1;
	s6 =	sadd.s32 s6, s9;
	s9 =	simm.s32 $0x1  }
.LBB2_15:
0xb: {  	s15 =	sadd.s32 $0x1, s15  }
0xc: {  	_ =	swait.ge [sflag:s14], $0x3C00;
	p0 =	sne.s32 s15, s7  }
.Ltmp1:
0xd: {  	[sflag:s14] =	ssyncset.done $0x0;
	(pc) =	sbr.rel @!p0 .LBB2_16-.Ltmp1, $4  }
0xe: {  	[sflag:s14] =	ssyncadd.s32 $0xFFFFC400  }
0xf: {  	_ =	swait.ge [sflag:s12], $0x3C00  }
0x10: {  	[sflag:s12] =	ssyncset.done $0x0  }
0x11: {  	[sflag:s12] =	ssyncadd.s32 $0xFFFFC400  }
.LBB2_1:
0x12: {  	v0 =	vmov s2  }
0x13: {  	[tilespmem:s2], [sflag:$0x5] =	stream.linear.gather [hbm4b:s6+s2], $0xA00, $0x38;
	[tilespmem:$0x8200] =	vst v63  }
0x14: {  	_ =	swait.ge [sflag:s8], $0xA00  }
0x15: {  	[sflag:s8] =	ssyncset.done $0x0  }
0x16: {  	[sflag:s8] =	ssyncadd.s32 $0xFFFFF600  }
0x17: {  	v0 =	vld.idx.msk [tilespmem:v0+s2+$0x0], $0xffff;
	_ =	sdelay $0x4  }
0x18: {  	v0 =	vxor.u32 $0x80000000, v0  }
0x19: {  	(xrf0) =	vmax.scan.msk.u32 $0xffff, v0;
	_ =	sdelay $0x5  }
0x1a: {  	v0, _, _ =	vpop (xrf0)  }
0x1b: {  	(v2sf) =	vpush v0, $0xF;
	_ =	sdelay $0xe  }
0x1c: {  	s16 =	simm.s32 $0x0;
	s17 =	spop (v2sf)  }
0x1d: {  	s16 =	smul.u32 $0x3000, s16;
	s18 =	sshrl.u32 s17, $0x3  }
0x1e: {  	s19 =	sand.u32 $0x380, s2;
	s17 =	sshll.u32 s17, $0x7;
	s18 =	smul.u32 $0xC00, s18  }
0x1f: {  	s22 =	simm.s32 $0x2;
	s16 =	sshra.s32 s16, $0x2;
	s17 =	sand.u32 $0x380, s17  }
0x20: {  	s16 =	sor.u32 s19, s16;
	s19 =	simm.s32 $0x0;
	s17 =	sor.u32 s17, s18  }
0x21: {  	s29 =	sadd.s32 $0xA00, s16;
	s30 =	sadd.s32 $0xE00, s16;
	s17 =	sshrl.u32 s17, $0x3  }
0x22: {  	s23 =	sadd.s32 $0x1200, s16;
	s18 =	simm.s32 $0x1;
	s17 =	sadd.s32 s4, s17  }
0x23: {  	[tilespmem:s29], [sflag:$0x1] =	stream.linear.gather [hbm4b:s17+s2], $0x80, $0x38;
	[tilespmem:$0x8200] =	vst v63  }
0x24: {  	v0 =	vmov s18;
	s31 =	sadd.s32 $0x80, s17;
	s21 =	sadd.s32 $0x100, s17;
	s17 =	simm.s32 $0x0  }
0x25: {  	[tilespmem:s30], [sflag:$0x1] =	stream.linear.gather [hbm4b:s31+s2], $0x80, $0x38;
	[tilespmem:$0x8200] =	vst v63  }
.LBB2_2:
0x26: {  	s16 =	simm.s32 $0x0  }
0x27: {  	s17 =	sadd.s32 $0x80, s17;
	s24 =	smov.u32 s22;
	s20 =	sadd.s32 $0x1, s22  }
0x28: {  	[tilespmem:s23], [sflag:$0x1] =	stream.linear.gather [hbm4b:s21+s19], $0x80, $0x38;
	[tilespmem:$0x8200] =	vst v63  }
0x29: {  	p0 =	sne.s32 s22, $0x27;
	s19 =	smov.u32 s16;
	v0 =	vld.idx.msk [tilespmem:v0+s16+$0x0], $0xffff;
	_ =	sdelay $0x5  }
0x2a: {  	v0 =	vxor.u32 $0x80000000, v0  }
0x2b: {  	(xrf0) =	vmax.scan.msk.u32 $0xffff, v0;
	_ =	sdelay $0x5  }
0x2c: {  	v0, _, _ =	vpop (xrf0)  }
0x2d: {  	(v2sf) =	vpush v0, $0xF;
	_ =	sdelay $0xe  }
0x2e: {  	s21 =	sshrl.u32 s18, $0x3;
	s18 =	smov.u32 s24;
	s22 =	spop (v2sf)  }
0x2f: {  	s21 =	smul.u32 $0x3000, s21;
	s23 =	sshrl.u32 s22, $0x3;
	s22 =	sshll.u32 s22, $0x7  }
0x30: {  	s23 =	smul.u32 $0xC00, s23;
	s22 =	sand.u32 $0x380, s22  }
0x31: {  	s24 =	sand.u32 $0x380, s17;
	s21 =	sshra.s32 s21, $0x2  }
0x32: {  	s22 =	sor.u32 s22, s23;
	s23 =	sor.u32 s24, s21  }
0x33: {  	s21 =	sshrl.u32 s22, $0x3;
	s22 =	sadd.s32 $0xA00, s23  }
.Ltmp2:
0x34: {  	v0 =	vmov s18;
	s24 =	sadd.s32 $0xE00, s23;
	s21 =	sadd.s32 s4, s21;
	(pc) =	sbr.rel @p0 .LBB2_2-.Ltmp2, $4  }
0x35: {  	[tilespmem:s22], [sflag:$0x1] =	stream.linear.gather [hbm4b:s21+s19], $0x80, $0x38;
	[tilespmem:$0x8200] =	vst v63  }
0x36: {  	s23 =	sadd.s32 $0x1200, s23;
	s22 =	sadd.s32 $0x80, s21;
	s21 =	sadd.s32 $0x100, s21  }
0x37: {  	[tilespmem:s24], [sflag:$0x1] =	stream.linear.gather [hbm4b:s22+s19], $0x80, $0x38;
	[tilespmem:$0x8200] =	vst v63  }
0x38: {  	s22 =	smov.u32 s20  }
0x39: {  	_ =	sdelay $0x2  }
0x3a: {  	[tilespmem:s23], [sflag:$0x1] =	stream.linear.gather [hbm4b:s21+s19], $0x80, $0x38;
	[tilespmem:$0x8200] =	vst v63  }
0x3b: {  	v0 =	vld.idx.msk [tilespmem:v0+s16+$0x0], $0xffff;
	_ =	sdelay $0x4  }
0x3c: {  	v0 =	vxor.u32 $0x80000000, v0  }
0x3d: {  	(xrf0) =	vmax.scan.msk.u32 $0xffff, v0;
	_ =	sdelay $0x5  }
0x3e: {  	v0, _, _ =	vpop (xrf0)  }
0x3f: {  	(v2sf) =	vpush v0, $0xF;
	_ =	sdelay $0xe  }
0x40: {  	s18 =	sshrl.u32 s18, $0x3;
	s26 =	spop (v2sf)  }
0x41: {  	s18 =	smul.u32 $0x3000, s18;
	s20 =	sshrl.u32 s26, $0x3  }
0x42: {  	s19 =	sshll.u32 s26, $0x7;
	s20 =	smul.u32 $0xC00, s20  }
0x43: {  	s17 =	sadd.s32 $0x80, s17;
	s19 =	sand.u32 $0x380, s19  }
0x44: {  	s17 =	sand.u32 $0x380, s17;
	s18 =	sshra.s32 s18, $0x2;
	s19 =	sor.u32 s19, s20  }
0x45: {  	s17 =	sor.u32 s17, s18;
	s28 =	sshrl.u32 s19, $0x3  }
0x46: {  	s29 =	sadd.s32 $0xA00, s17;
	s18 =	sadd.s32 s4, s28  }
0x47: {  	[tilespmem:s29], [sflag:$0x1] =	stream.linear.gather [hbm4b:s18+s16], $0x80, $0x38;
	[tilespmem:$0x8200] =	vst v63  }
.Ltmp3:
0x48: {  	s30 =	sadd.s32 $0xE00, s17;
	s31 =	sadd.s32 $0x80, s18;
	(pc) =	sbr.rel .LBB2_4-.Ltmp3, $4  }
0x49: {  	[tilespmem:s30], [sflag:$0x1] =	stream.linear.gather [hbm4b:s31+s16], $0x80, $0x38;
	[tilespmem:$0x8200] =	vst v63  }
0x4a: {  	s17 =	sadd.s32 $0x1200, s17;
	s18 =	sadd.s32 $0x100, s18  }
0x4b: {  	[tilespmem:s17], [sflag:$0x1] =	stream.linear.gather [hbm4b:s18+s16], $0x80, $0x38;
	[tilespmem:$0x8200] =	vst v63  }
0x4c: {  	s17 =	simm.s32 $0x0  }
.LBB2_17:
0x4d: {  	_ =	swait.ge [sflag:s11], $0x3C00  }
0x4e: {  	[sflag:s11] =	ssyncset.done $0x0  }
0x4f: {  	[sflag:s11] =	ssyncadd.s32 $0xFFFFC400  }
.LBB2_13:
0x50: {  	_ =	swait.ge [sflag:s12], $0x3C00  }
0x51: {  	[sflag:s12] =	ssyncset.done $0x0  }
0x52: {  	[sflag:s12] =	ssyncadd.s32 $0xFFFFC400  }
.LBB2_14:
0x53: {  	s17 =	sadd.s32 $0x1, s17  }
0x54: {  	s18 =	sadd.s32 s3, s18;
	p0 =	sne.s32 s17, $0x20  }
.Ltmp4:
0x55: {  	s18 =	sshrl.u32 s18, $0x3;
	(pc) =	sbr.rel @!p0 .LBB2_15-.Ltmp4, $3  }
0x56: {  	s18 =	smul.u32 $0x180, s18;
	_ =	sdelay $0x1  }
0x57: {  	s18 =	sadd.s32 s5, s18  }
0x58: {  	[hbm4b:s18+s2] =	stream.linear.scatter [tilespmem:s13], [sflag:$0x4], $0x3C00, $0x38;
	[tilespmem:$0x8200] =	vst v63  }
.LBB2_4:
0x59: {  	s19 =	smul.u32 $0x50, s17;
	p1 =	por $0x1, $0x1  }
.Ltmp5:
0x5a: {  	_ = 	snop;
	(pc) =	sbr.rel @!p1 .LBB2_5-.Ltmp5, $4  }
0x5b: {  	_ = 	snop  }
0x5c: {  	s18 =	sadd.s32 $0x28, s19  }
0x5d: {  	s21 =	sadd.s32 $0x0, s18  }
0x5e: {  	s20 =	simm.s32 $0x1;
	p0 =	por $0x0, $0x0;
	v0 =	vmov s21  }
0x5f: {  	_ =	sdelay $0x3  }
0x60: {  	v0 =	vld.idx.msk [tilespmem:v0+s2+$0x0], $0xffff;
	_ =	sdelay $0x4  }
0x61: {  	v0 =	vxor.u32 $0x80000000, v0  }
0x62: {  	(xrf0) =	vmax.scan.msk.u32 $0xffff, v0;
	_ =	sdelay $0x5  }
0x63: {  	v0, _, _ =	vpop (xrf0)  }
0x64: {  	(v2sf) =	vpush v0, $0xF;
	_ =	sdelay $0xd  }
0x65: {  	s21 =	simm.s32 $0x0  }
0x66: {  	s21 =	smul.u32 $0x3000, s21;
	s22 =	spop (v2sf)  }
0x67: {  	s24 =	sand.u32 $0x380, s16;
	p1 =	por $0x1, $0x1;
	s23 =	sshrl.u32 s22, $0x3  }
0x68: {  	s21 =	sshra.s32 s21, $0x2;
	s22 =	sshll.u32 s22, $0x7;
	s23 =	smul.u32 $0xC00, s23  }
0x69: {  	s31 =	sadd.s32 $0x1, s18;
	s21 =	sor.u32 s24, s21;
	s22 =	sand.u32 $0x380, s22  }
0x6a: {  	p0 =	por $0x1, $0x1;
	s28 =	sadd.s32 $0x4600, s21;
	s22 =	sor.u32 s22, s23  }
.Ltmp6:
0x6b: {  	s29 =	sadd.s32 $0x4A00, s21;
	s22 =	sshrl.u32 s22, $0x3;
	(pc) =	sbr.rel @!p1 .LBB2_7-.Ltmp6, $4  }
0x6c: {  	s24 =	sadd.s32 $0x4E00, s21;
	s21 =	simm.s32 $0x0;
	s26 =	sadd.s32 s4, s22  }
0x6d: {  	[tilespmem:s28], [sflag:$0x2] =	stream.linear.gather [hbm4b:s26+s2], $0x80, $0x38;
	[tilespmem:$0x8200] =	vst v63  }
0x6e: {  	v0 =	vmov s31;
	s22 =	simm.s32 $0x2;
	s30 =	sadd.s32 $0x80, s26;
	s23 =	sadd.s32 $0x100, s26  }
0x6f: {  	[tilespmem:s29], [sflag:$0x2] =	stream.linear.gather [hbm4b:s30+s2], $0x80, $0x38;
	[tilespmem:$0x8200] =	vst v63  }
.LBB2_8:
0x70: {  	p1 =	sne.s32 s22, $0x27  }
0x71: {  	s21 =	sadd.s32 $0x80, s21;
	s25 =	smov.u32 s22;
	s22 =	sadd.s32 $0x1, s22  }
0x72: {  	[tilespmem:s24], [sflag:$0x2] =	stream.linear.gather [hbm4b:s23+s2], $0x80, $0x38;
	[tilespmem:$0x8200] =	vst v63  }
0x73: {  	v0 =	vld.idx.msk [tilespmem:v0+s2+$0x0], $0xffff;
	_ =	sdelay $0x5  }
0x74: {  	v0 =	vxor.u32 $0x80000000, v0  }
0x75: {  	(xrf0) =	vmax.scan.msk.u32 $0xffff, v0;
	_ =	sdelay $0x5  }
0x76: {  	v0, _, _ =	vpop (xrf0)  }
0x77: {  	(v2sf) =	vpush v0, $0xF;
	_ =	sdelay $0xe  }
0x78: {  	s23 =	sshrl.u32 s20, $0x3;
	s20 =	smov.u32 s25;
	s24 =	spop (v2sf)  }
0x79: {  	s23 =	smul.u32 $0x3000, s23;
	s25 =	sshrl.u32 s24, $0x3;
	s24 =	sshll.u32 s24, $0x7  }
0x7a: {  	s25 =	smul.u32 $0xC00, s25;
	s24 =	sand.u32 $0x380, s24  }
0x7b: {  	s26 =	sand.u32 $0x380, s21;
	s23 =	sshra.s32 s23, $0x2  }
0x7c: {  	s24 =	sor.u32 s24, s25;
	s25 =	sor.u32 s26, s23  }
.Ltmp7:
0x7d: {  	s23 =	sadd.s32 s18, s20;
	s24 =	sshrl.u32 s24, $0x3;
	(pc) =	sbr.rel @p1 .LBB2_8-.Ltmp7, $4  }
0x7e: {  	v0 =	vmov s23;
	s26 =	sadd.s32 $0x4A00, s25;
	s23 =	sadd.s32 s4, s24;
	s24 =	sadd.s32 $0x4600, s25  }
0x7f: {  	[tilespmem:s24], [sflag:$0x2] =	stream.linear.gather [hbm4b:s23+s2], $0x80, $0x38;
	[tilespmem:$0x8200] =	vst v63  }
0x80: {  	s28 =	sadd.s32 $0x80, s23;
	s23 =	sadd.s32 $0x100, s23;
	s24 =	sadd.s32 $0x4E00, s25  }
0x81: {  	[tilespmem:s26], [sflag:$0x2] =	stream.linear.gather [hbm4b:s28+s2], $0x80, $0x38;
	[tilespmem:$0x8200] =	vst v63  }
.LBB2_9:
0x82: {  	_ =	sdelay $0x2  }
0x83: {  	[tilespmem:s24], [sflag:$0x2] =	stream.linear.gather @p0 [hbm4b:s23+s2], $0x80, $0x38;
	[tilespmem:$0x8200] =	vst v63  }
0x84: {  	v0 =	vld.idx.msk [tilespmem:v0+s2+$0x0], $0xffff;
	_ =	sdelay $0x4  }
0x85: {  	v0 =	vxor.u32 $0x80000000, v0  }
0x86: {  	(xrf0) =	vmax.scan.msk.u32 $0xffff, v0;
	_ =	sdelay $0x5  }
0x87: {  	v0, _, _ =	vpop (xrf0)  }
0x88: {  	(v2sf) =	vpush v0, $0xF;
	_ =	sdelay $0xe  }
0x89: {  	s20 =	sshrl.u32 s20, $0x3;
	s22 =	spop (v2sf)  }
0x8a: {  	s21 =	sadd.s32 @p0 $0x80, s21;
	s20 =	smul.u32 $0x3000, s20;
	s25 =	sshrl.u32 s22, $0x3  }
0x8b: {  	s24 =	simm.s32 $0x0;
	s22 =	sshll.u32 s22, $0x7;
	s23 =	smul.u32 $0xC00, s25  }
0x8c: {  	s24 =	smov.u32 @p0 s21;
	s22 =	sand.u32 $0x380, s22  }
0x8d: {  	s21 =	sand.u32 $0x380, s24;
	s20 =	sshra.s32 s20, $0x2;
	s22 =	sor.u32 s22, s23  }
0x8e: {  	s20 =	sor.u32 s21, s20;
	s26 =	sshrl.u32 s22, $0x3  }
0x8f: {  	s28 =	sadd.s32 $0x4600, s20;
	s21 =	sadd.s32 s4, s26  }
0x90: {  	[tilespmem:s28], [sflag:$0x2] =	stream.linear.gather [hbm4b:s21+s2], $0x80, $0x38;
	[tilespmem:$0x8200] =	vst v63  }
0x91: {  	s29 =	sadd.s32 $0x4A00, s20;
	s30 =	sadd.s32 $0x80, s21  }
0x92: {  	[tilespmem:s29], [sflag:$0x2] =	stream.linear.gather [hbm4b:s30+s2], $0x80, $0x38;
	[tilespmem:$0x8200] =	vst v63  }
0x93: {  	s20 =	sadd.s32 $0x4E00, s20;
	s21 =	sadd.s32 $0x100, s21  }
0x94: {  	[tilespmem:s20], [sflag:$0x2] =	stream.linear.gather [hbm4b:s21+s2], $0x80, $0x38;
	[tilespmem:$0x8200] =	vst v63  }
0x95: {  	s31 =	sadd.s32 s3, s19;
	p0 =	seq.s32 s17, $0x0;
	_ =	swait.ge [sflag:s9], $0x3C00  }
0x96: {  	p1 =	seq.s32 s17, $0x1F;
	s21 =	simm.s32 @!p0 $0x3;
	[sflag:s9] =	ssyncset.done $0x0  }
.Ltmp8:
0x97: {  	s20 =	sshrl.u32 s31, $0x3;
	[sflag:s9] =	ssyncadd.s32 $0xFFFFC400;
	(pc) =	sbr.rel @p1 .LBB2_17-.Ltmp8, $4  }
0x98: {  	s20 =	smul.u32 $0x180, s20;
	_ =	swait.ge @!p0 [sflag:s21], $0x3C00  }
0x99: {  	[sflag:s21] =	ssyncset.done @!p0 $0x0  }
0x9a: {  	s20 =	sadd.s32 s5, s20;
	[sflag:s21] =	ssyncadd.s32 @!p0 $0xFFFFC400  }
0x9b: {  	[hbm4b:s20+s2] =	stream.linear.scatter [tilespmem:s10], [sflag:$0x3], $0x3C00, $0x38;
	[tilespmem:$0x8200] =	vst v63  }
0x9c: {  	s20 =	sadd.s32 $0x50, s19  }
0x9d: {  	s21 =	sadd.s32 $0x0, s20  }
0x9e: {  	v0 =	vmov s21;
	_ =	sdelay $0x4  }
0x9f: {  	v0 =	vld.idx.msk [tilespmem:v0+s2+$0x0], $0xffff;
	_ =	sdelay $0x4  }
0xa0: {  	v0 =	vxor.u32 $0x80000000, v0  }
0xa1: {  	(xrf0) =	vmax.scan.msk.u32 $0xffff, v0;
	_ =	sdelay $0x5  }
0xa2: {  	v0, _, _ =	vpop (xrf0)  }
0xa3: {  	(v2sf) =	vpush v0, $0xF;
	_ =	sdelay $0xe  }
0xa4: {  	s25 =	simm.s32 $0x0;
	s22 =	spop (v2sf)  }
0xa5: {  	s21 =	smul.u32 $0x3000, s25;
	s23 =	sshrl.u32 s22, $0x3  }
0xa6: {  	s19 =	simm.s32 $0x0;
	s22 =	sshll.u32 s22, $0x7;
	s23 =	smul.u32 $0xC00, s23  }
0xa7: {  	s24 =	sand.u32 $0x380, s19;
	s21 =	sshra.s32 s21, $0x2;
	s22 =	sand.u32 $0x380, s22  }
0xa8: {  	s25 =	sadd.s32 $0x1, s20;
	s24 =	sor.u32 s24, s21;
	s22 =	sor.u32 s22, s23  }
0xa9: {  	s21 =	simm.s32 $0x1;
	s29 =	sadd.s32 $0xA00, s24;
	s26 =	sshrl.u32 s22, $0x3  }
0xaa: {  	s30 =	sadd.s32 $0xE00, s24;
	s24 =	sadd.s32 $0x1200, s24;
	s28 =	sadd.s32 s4, s26  }
0xab: {  	[tilespmem:s29], [sflag:$0x1] =	stream.linear.gather [hbm4b:s28+s2], $0x80, $0x38;
	[tilespmem:$0x8200] =	vst v63  }
0xac: {  	v0 =	vmov s25;
	s22 =	simm.s32 $0x2;
	s31 =	sadd.s32 $0x80, s28;
	s23 =	sadd.s32 $0x100, s28  }
0xad: {  	[tilespmem:s30], [sflag:$0x1] =	stream.linear.gather [hbm4b:s31+s2], $0x80, $0x38;
	[tilespmem:$0x8200] =	vst v63  }
.LBB2_11:
0xae: {  	p1 =	sne.s32 s22, $0x27  }
0xaf: {  	s19 =	sadd.s32 $0x80, s19;
	s25 =	smov.u32 s22;
	s22 =	sadd.s32 $0x1, s22  }
0xb0: {  	[tilespmem:s24], [sflag:$0x1] =	stream.linear.gather [hbm4b:s23+s2], $0x80, $0x38;
	[tilespmem:$0x8200] =	vst v63  }
0xb1: {  	v0 =	vld.idx.msk [tilespmem:v0+s2+$0x0], $0xffff;
	_ =	sdelay $0x5  }
0xb2: {  	v0 =	vxor.u32 $0x80000000, v0  }
0xb3: {  	(xrf0) =	vmax.scan.msk.u32 $0xffff, v0;
	_ =	sdelay $0x5  }
0xb4: {  	v0, _, _ =	vpop (xrf0)  }
0xb5: {  	(v2sf) =	vpush v0, $0xF;
	_ =	sdelay $0xe  }
0xb6: {  	s23 =	sshrl.u32 s21, $0x3;
	s21 =	smov.u32 s25;
	s24 =	spop (v2sf)  }
0xb7: {  	s23 =	smul.u32 $0x3000, s23;
	s25 =	sshrl.u32 s24, $0x3;
	s24 =	sshll.u32 s24, $0x7  }
0xb8: {  	s25 =	smul.u32 $0xC00, s25;
	s24 =	sand.u32 $0x380, s24  }
0xb9: {  	s26 =	sand.u32 $0x380, s19;
	s23 =	sshra.s32 s23, $0x2  }
0xba: {  	s24 =	sor.u32 s24, s25;
	s25 =	sor.u32 s26, s23  }
.Ltmp9:
0xbb: {  	s23 =	sadd.s32 s20, s21;
	s24 =	sshrl.u32 s24, $0x3;
	(pc) =	sbr.rel @p1 .LBB2_11-.Ltmp9, $4  }
0xbc: {  	v0 =	vmov s23;
	s26 =	sadd.s32 $0xE00, s25;
	s23 =	sadd.s32 s4, s24;
	s24 =	sadd.s32 $0xA00, s25  }
0xbd: {  	[tilespmem:s24], [sflag:$0x1] =	stream.linear.gather [hbm4b:s23+s2], $0x80, $0x38;
	[tilespmem:$0x8200] =	vst v63  }
0xbe: {  	s28 =	sadd.s32 $0x80, s23;
	s23 =	sadd.s32 $0x100, s23;
	s24 =	sadd.s32 $0x1200, s25  }
0xbf: {  	[tilespmem:s26], [sflag:$0x1] =	stream.linear.gather [hbm4b:s28+s2], $0x80, $0x38;
	[tilespmem:$0x8200] =	vst v63  }
0xc0: {  	_ =	sdelay $0x2  }
0xc1: {  	[tilespmem:s24], [sflag:$0x1] =	stream.linear.gather [hbm4b:s23+s2], $0x80, $0x38;
	[tilespmem:$0x8200] =	vst v63  }
0xc2: {  	v0 =	vld.idx.msk [tilespmem:v0+s2+$0x0], $0xffff;
	_ =	sdelay $0x4  }
0xc3: {  	v0 =	vxor.u32 $0x80000000, v0  }
0xc4: {  	(xrf0) =	vmax.scan.msk.u32 $0xffff, v0;
	_ =	sdelay $0x5  }
0xc5: {  	v0, _, _ =	vpop (xrf0)  }
0xc6: {  	(v2sf) =	vpush v0, $0xF;
	_ =	sdelay $0xe  }
0xc7: {  	s20 =	sshrl.u32 s21, $0x3;
	s26 =	spop (v2sf)  }
0xc8: {  	s20 =	smul.u32 $0x3000, s20;
	s22 =	sshrl.u32 s26, $0x3  }
0xc9: {  	s21 =	sshll.u32 s26, $0x7;
	s22 =	smul.u32 $0xC00, s22  }
0xca: {  	s19 =	sadd.s32 $0x80, s19;
	s21 =	sand.u32 $0x380, s21  }
0xcb: {  	s19 =	sand.u32 $0x380, s19;
	s20 =	sshra.s32 s20, $0x2;
	s21 =	sor.u32 s21, s22  }
0xcc: {  	s19 =	sor.u32 s19, s20;
	s28 =	sshrl.u32 s21, $0x3  }
0xcd: {  	s29 =	sadd.s32 $0xA00, s19;
	s20 =	sadd.s32 s4, s28  }
0xce: {  	[tilespmem:s29], [sflag:$0x1] =	stream.linear.gather [hbm4b:s20+s2], $0x80, $0x38;
	[tilespmem:$0x8200] =	vst v63  }
0xcf: {  	s30 =	sadd.s32 $0xE00, s19;
	s31 =	sadd.s32 $0x80, s20  }
0xd0: {  	[tilespmem:s30], [sflag:$0x1] =	stream.linear.gather [hbm4b:s31+s2], $0x80, $0x38;
	[tilespmem:$0x8200] =	vst v63  }
0xd1: {  	s19 =	sadd.s32 $0x1200, s19;
	s20 =	sadd.s32 $0x100, s20  }
0xd2: {  	[tilespmem:s19], [sflag:$0x1] =	stream.linear.gather [hbm4b:s20+s2], $0x80, $0x38;
	[tilespmem:$0x8200] =	vst v63  }
.Ltmp10:
0xd3: {  	_ = 	snop;
	(pc) =	sbr.rel @!p0 .LBB2_13-.Ltmp10, $4  }
.Ltmp11:
0xd4: {  	_ = 	snop;
	(pc) =	sbr.rel @p0 .LBB2_14-.Ltmp11, $4  }
0xd5: {  	_ =	swait.ge [sflag:s11], $0x3C00  }
0xd6: {  	[sflag:s11] =	ssyncset.done $0x0  }
0xd7: {  	[sflag:s11] =	ssyncadd.s32 $0xFFFFC400  }
0xd8: {  	_ = 	snop  }
.LBB2_5:
.Ltmp12:
0xd9: {  	(pc) =	sbr.rel .LBB2_9-.Ltmp12, $2  }
0xda: {  	_ =	sdelay $0x2  }
0xdb: {  	s21 =	simm.s32 $0x0;
	s20 =	simm.s32 $0x0  }
.LBB2_7:
.Ltmp13:
0xdc: {  	(pc) =	sbr.rel .LBB2_9-.Ltmp13, $2  }
0xdd: {  	_ =	sdelay $0x2  }
0xde: {  	s21 =	simm.s32 $0x0  }
.LBB2_16:
0xdf: {  	_ =	sfence.sel $0x180000  }
0xe0: {  	[bflag:$0x0] =	sbarrier.arrive $0xFFFF  }
0xe1: {  	p0 =	sne.s32 s0, $0x0;
	_ =	strace $0x90000047  }
0xe2: {  	s0 =	sadd.s32 @!p0 $0x100000, s1;
	[bflag:$0x2] =	sbarrier.arrive $0xFFFF  }
0xe3: {  	[sflag:s0] =	ssyncadd.tile.s32 @!p0 $0x1;
	_ =	shalt  }
.Lfunc_end2:
_tile_overlayer_lowered:
.L_overlay_start_2:
0xe4: {  	(tag) =	ssettag $0x2  }
0xe5: {  	s0 =	rddreg [dreg:$0x0];
	s2 =	stileid.u32  }
0xe6: {  	s1 =	rddreg [dreg:$0x1];
	p0 =	sne.s32 s2, $0x0  }
0xe7: {  	s3 =	rddreg [dreg:$0x2];
	[bflag:$0x3] =	sbarrier.arrive $0xFFFF;
	s2 =	simm.s32 @!p0 $0x1C05  }
0xe8: {  	[timem:s3], [sflag:s2] =	dma.local @!p0 [hbm:s0], s1  }
0xe9: {  	s0 =	simm.s32 @!p0 $0x5  }
0xea: {  	_ =	swait.ge @!p0 [sflag:s0], s1  }
0xeb: {  	s1 =	ssub.s32 @!p0 $0x0, s1;
	[sflag:s0] =	ssyncset.done @!p0 $0x0  }
0xec: {  	[sflag:s0] =	ssyncadd.s32 @!p0 s1  }
0xed: {  	[bflag:$0x3] =	sbarrier.arrive $0xFFFF  }
0xee: {  	_ =	shalt  }

// kernel: sparse-core-data-format-call.cloned.1.call-start
scs
called_computation_lowered:
.L_overlay_start_0:
0x0: {  	s2 =	sld [smem:$0x3FD9]  }
0x1: {  	s3 =	sld [smem:$0x3FFE];
	_ =	sdelay $0x1  }
0x2: {  	s1 =	srdreg.scid  }
0x3: {  	s0 =	sand.u32 $0x1, s1  }
0x4: {  	s18 =	sshll.u32 s0, $0xA;
	s2 =	sadd.s32 s3, s2  }
0x5: {  	s2 =	sadd.s32 s2, s18  }
0x6: {  	[smem:$0x3FC6] =	sst s2  }
0x7: {  	_ = 	snop  }
0x8: {  	s2 =	sld [smem:$0x3FD0];
	(tm) =	ssettm $0x1  }
0x9: {  	s19 =	sld [smem:$0x3FFB];
	_ =	sdelay $0x3  }
0xa: {  	_ =	strace s19  }
0xb: {  	s3 =	sld [smem:$0x3FFC];
	_ =	sdelay $0x3  }
0xc: {  	_ =	strace s3  }
0xd: {  	s3 =	sld [smem:$0x3FFD];
	_ =	sdelay $0x3  }
0xe: {  	_ =	strace s3  }
0xf: {  	_ =	strace $0x8FFFFFFF  }
0x10: {  	s20 =	sld [smem:$0x3FDB];
	_ =	sdelay $0x1  }
0x11: {  	s4 =	simm.s32 $_scs_section_size  }
0x12: {  	s5 =	simm.s32 $_size__tile_overlayer_lowered;
	s6 =	simm.s32 $_tile_overlayer_lowered  }
0x13: {  	s23 =	simm.s32 $0x1BFF;
	s22 =	sshll.u32 s6, $0x1;
	s3 =	sadd.s32 s4, s20  }
0x14: {  	s7 =	simm.s32 $0x0;
	s21 =	sshll.u32 s5, $0x1;
	s5 =	sadd.s32 s22, s3  }
0x15: {  	[timem:s7], [sflag:s23] =	dma.local [hbm:s5], s21  }
0x16: {  	_ =	swait.ge [sflag:s23], s21  }
0x17: {  	s4 =	ssub.s32 $0x0, s21;
	[sflag:s23] =	ssyncset.done $0x0  }
0x18: {  	[sflag:s23] =	ssyncadd.s32 s4;
	_ =	sdelay $0x1  }
0x19: {  	s24 =	simm.s32 $0x1B8B  }
0x1a: {  	_ =	swait.ge [sflag:s24], $0x1  }
0x1b: {  	[sflag:s24] =	ssyncset.done $0x0  }
0x1c: {  	s26 =	simm.s32 $0x1B8E;
	s25 =	sld [smem:$0x3FFE];
	[sflag:s24] =	ssyncadd.s32 $0xFFFFFFFF  }
0x1d: {  	s27 =	simm.s32 $execute0_lowered;
	[smem:$0x3FD2] =	sst s26  }
0x1e: {  	s5 =	sshll.u32 s27, $0x1;
	_ =	strace $0x80000049;
	[dreg:$0x1] =	wrdreg $0xFFFFFFFF  }
0x1f: {  	s28 =	simm.s32 $_size_execute0_lowered;
	s3 =	sadd.s32 s3, s5;
	[dreg:$0x0] =	wrdreg $0x0  }
0x20: {  	s5 =	sshll.u32 s28, $0x1;
	[dreg:$0x2] =	wrdreg s3  }
0x21: {  	[dreg:$0x3] =	wrdreg s5  }
0x22: {  	[dreg:$0x4] =	wrdreg $0xC0  }
0x23: {  	_ =	task [dreg:s7], $0x5FFFF  }
0x24: {  	[dreg:$0x1] =	wrdreg $0xFFFFFFFF  }
0x25: {  	[dreg:$0x0] =	wrdreg $0x60  }
0x26: {  	[dreg:$0x2] =	wrdreg s25  }
0x27: {  	[dreg:$0x3] =	wrdreg s2  }
0x28: {  	[dreg:$0x4] =	wrdreg $0x9  }
0x29: {  	_ =	task.clear_ibuf [dreg:s7], $0x5FFFF;
	_ =	strace $0x90000049  }
0x2a: {  	s29 =	simm.s32 $0x9;
	_ =	strace $0x8000004B  }
0x2b: {  	_ =	swait.ge [sflag:s29], $0x1  }
0x2c: {  	[sflag:s29] =	ssyncadd.s32 $0xFFFFFFFF  }
0x2d: {  	_ =	strace $0x9000004B  }
0x2e: {  	_ =	sfence  }
0x2f: {  	s30 =	sld [smem:$0x0];
	_ =	sdelay $0x2  }
0x30: {  	s31 =	sshll.u32 s1, $0xD;
	s1 =	sshrl.u32 s1, $0x2  }
0x31: {  	s3 =	sand.u32 $0x4000, s31;
	s1 =	sadd.s32 s1, s30  }
0x32: {  	s0 =	sor.u32 s3, s0;
	s1 =	sshll.u32 s1, $0x11  }
0x33: {  	s0 =	sor.u32 s1, s0  }
0x34: {  	s0 =	sadd.s32 $0x8F2B, s0  }
0x35: {  	[sflag:s0] =	ssyncadd.remote.s32 $0x1  }
0x36: {  	_ =	sfence.sel $0xFFFF  }
0x37: {  	[dreg:$0x0] =	wrdreg $0xFFFFFFFF;
	(pc) =	sbr.abs _section_cstart, $3  }
0x38: {  	[dreg:$0x1] =	wrdreg $0xFFFFFFFF  }
0x39: {  	_ =	task.clear_ibuf [dreg:s7], $0x2FFFF;
	_ =	strace $0x9FFFFFFF  }
0x3a: {  	(tm) =	ssettm $0x7FFFFFFF  }
0x3b: {  	_ =	shalt  }
tec
execute0_lowered:
.L_overlay_start_1:
0x0: {  	(tag) =	ssettag $0x1  }
0x1: {  	s0 =	srdreg.scid;
	s6 =	rddreg [dreg:$0x0]  }
0x2: {  	s3 =	rddreg [dreg:$0x1];
	s1 =	sshll.u32 s0, $0x4  }
0x3: {  	s5 =	simm.s32 $0x1;
	s0 =	stileid.u32;
	s1 =	sand.u32 $0x10, s1  }
0x4: {  	s31 =	simm.s32 $0x2;
	s16 =	simm.s32 $0x0;
	s1 =	sor.u32 s0, s1  }
0x5: {  	s8 =	simm.s32 $0x8000;
	s18 =	simm.s32 $0x0;
	s2 =	sshll.u32 s1, $0x7  }
0x6: {  	s17 =	simm.s32 $0x0;
	s9 =	simm.s32 $0x0;
	s4 =	ssub.s32 $0x1000, s2  }
0x7: {  	s10 =	simm.s32 $0x0;
	s11 =	simm.s32 $0x0;
	s30 =	sand.u32 $0xF80, s4  }
0x8: {  	s12 =	simm.s32 $0x0;
	s13 =	simm.s32 $0x0;
	p0 =	sne.s32 s30, $0x0  }
.Ltmp0:
0x9: {  	s7 =	sshrl.u32 s4, $0xC;
	s5 =	simm.s32 @!p0 $0x0;
	(pc) =	sbr.rel .LBB1_1-.Ltmp0, $4  }
0xa: {  	s15 =	simm.s32 $0x0;
	s1 =	rddreg [dreg:$0x2];
	s5 =	sadd.s32 s5, s7  }
0xb: {  	_ =	strace $0x8000004A;
	s4 =	simm.s32 $0x1;
	s5 =	smul.u32 $0x3C, s5  }
0xc: {  	s6 =	sadd.s32 $0x800, s6;
	s14 =	smov.u32 s2;
	[sflag:s4] =	ssyncpa.u1 $0x0  }
0xd: {  	[sflag:s31] =	ssyncpa.u1 $0x0;
	p0 =	por $0x0, $0x0;
	s7 =	sor.u32 $0x1, s5  }
.LBB1_4:
0xe: {  	s23 =	sshra.s32 s23, $0x2;
	s30 =	sshll.u32 s9, $0xC  }
0xf: {  	p1 =	sgt.s32 s10, $0x13;
	s24 =	smov.u32 s10;
	s25 =	sshra.s32 s10, $0x1F  }
0x10: {  	s26 =	sshll.u32 s11, $0x3;
	s28 =	smov.u32 s11;
	s29 =	sshra.s32 s11, $0x1F  }
0x11: {  	s22 =	sadd.s32 s23, s22;
	s24 =	simm.s32 @!p1 $0x13;
	s25 =	sand.u32 s25, s10  }
0x12: {  	s23 =	sand.u32 $0xFFFF8000, s30;
	s27 =	sand.u32 $0xFFFFFC00, s26;
	p1 =	sgt.s32 s9, $0xC0  }
0x13: {  	s31 =	sand.u32 s29, s11;
	s29 =	sshll.u32 s9, $0x7;
	s30 =	sshra.s32 s9, $0x1F  }
0x14: {  	[tilespmem:s21+$0x2040 ss:$0x81] =	vst.msk $0xffff, v4;
	s24 =	ssub.s32 s24, s25;
	s23 =	sadd.s32 s27, s23;
	s27 =	smov.u32 s9  }
0x15: {  	[tilespmem:s21+$0x2850 ss:$0x81] =	vst.msk $0xffff, v3;
	s29 =	sand.u32 $0x380, s29;
	s25 =	sadd.s32 $0xFFFFFFED, s24;
	s27 =	simm.s32 @!p1 $0xC0  }
0x16: {  	v5 =	vld [tilespmem:s20+$0xFFFFFFD0];
	[tilespmem:s21+$0x3060 ss:$0x81] =	vst.msk $0xffff, v2;
	p1 =	sgt.s32 s11, $0xF80;
	s23 =	sshrl.u32 s23, $0xC;
	s24 =	ssub.s32 $0x14, s24  }
0x17: {  	v58 =	vld [tilespmem:s20+$0xFFFFFFE0];
	[tilespmem:s21+$0x0 ss:$0x81] =	vst.msk $0xffff, v1;
	s28 =	simm.s32 @!p1 $0xF80;
	p1 =	sgt.s32 s25, $0x0;
	s21 =	smulhi.u32 $0xCCCCCD, s23  }
0x18: {  	v59 =	vld [tilespmem:s20+$0xFFFFFFF0];
	s25 =	ssub.s32 s28, s31;
	s28 =	sand.u32 s30, s9;
	s24 =	simm.s32 @p1 $0x0  }
0x19: {  	v60 =	vld [tilespmem:s20+$0x0];
	s27 =	ssub.s32 s27, s28;
	s31 =	sadd.s32 $0xFFFFF080, s25;
	s25 =	ssub.s32 $0x1000, s25  }
0x1a: {  	v61 =	vld [tilespmem:s20+$0x10];
	[tilespmem:s22+$0x3870 ss:$0x81] =	vst.msk $0xffff, v0;
	s21 =	smul.u32 $0x140, s21;
	s28 =	sand.u32 $0x7, s11;
	p1 =	sgt.s32 s31, $0x7F  }
0x1b: {  	v62 =	vld [tilespmem:s20+$0x20];
	[tilespmem:s22+$0x810 ss:$0x81] =	vst.msk $0xffff, v5;
	s30 =	sadd.s32 $0xFFFFFF40, s27;
	s31 =	sand.u32 $0x78, s11;
	s25 =	simm.s32 @p1 $0x0  }
0x1c: {  	v63 =	vld [tilespmem:s20+$0xFFFFFFC0];
	[tilespmem:s22+$0x1020 ss:$0x81] =	vst.msk $0xffff, v58;
	p1 =	sgt.s32 s30, $0x7F;
	s30 =	sand.u32 $0xC00, s26;
	s24 =	smul.u32 s25, s24  }
0x1d: {  	[tilespmem:s22+$0x1830 ss:$0x81] =	vst.msk $0xffff, v59;
	s26 =	ssub.s32 $0x140, s27;
	s20 =	sor.u32 s31, s30;
	s31 =	smul.u32 $0x28000, s10  }
0x1e: {  	[tilespmem:s22+$0x2040 ss:$0x81] =	vst.msk $0xffff, v60;
	s21 =	ssub.s32 s23, s21;
	s26 =	simm.s32 @p1 $0x0;
	s20 =	sor.u32 s29, s20  }
0x1f: {  	[tilespmem:s22+$0x2850 ss:$0x81] =	vst.msk $0xffff, v61;
	s26 =	smul.u32 s26, s24;
	s20 =	sshrl.u32 s20, $0x3;
	s27 =	sadd.s32 s3, s31  }
0x20: {  	[tilespmem:s22+$0x3060 ss:$0x81] =	vst.msk $0xffff, v62;
	s21 =	sshll.u32 s21, $0x9;
	s29 =	sshll.u32 s28, $0x12;
	s20 =	sadd.s32 s20, s27  }
0x21: {  	[tilespmem:s22+$0x0 ss:$0x81] =	vst.msk $0xffff, v63;
	s31 =	sor.u32 $0x400, s29;
	s30 =	sand.u32 $0x3FFFFFFF, s26;
	s20 =	sadd.s32 s21, s20  }
0x22: {  	[hbm4b:s20+s31] =	stream.strided.scatter [tilespmem:s19], [sflag:$0x2], s30, s8, s31, $0x20;
	[tilespmem:$0x10100] =	vst v63  }
.LBB1_5:
0x23: {  	p1 =	slt.u32 s15, $0x2  }
0x24: {  	p2 =	sgt.s32 @!p1 s18, $0x13  }
0x25: {  	s19 =	smov.u32 s18;
	s20 =	sshra.s32 @!p1 s18, $0x1F;
	p2 =	por !p2, p1  }
0x26: {  	s18 =	sand.u32 @!p1 s20, s18;
	s19 =	simm.s32 @p2 $0x13  }
0x27: {  	p3 =	sgt.s32 @!p1 s16, $0xC0;
	s18 =	ssub.s32 @!p1 s19, s18  }
0x28: {  	p4 =	sgt.s32 @!p1 s17, $0xF80;
	s21 =	sshra.s32 @!p1 s17, $0x1F;
	s19 =	sadd.s32 @!p1 $0xFFFFFFED, s18  }
0x29: {  	s20 =	smov.u32 s16;
	p2 =	sgt.s32 @!p1 s19, $0x0;
	s19 =	sshra.s32 @!p1 s16, $0x1F  }
0x2a: {  	p4 =	por !p4, p1;
	s16 =	sand.u32 @!p1 s19, s16;
	s19 =	smov.u32 s17  }
0x2b: {  	p3 =	por !p3, p1;
	s17 =	sand.u32 @!p1 s21, s17;
	s19 =	simm.s32 @p4 $0xF80  }
0x2c: {  	s20 =	simm.s32 @p3 $0xC0;
	s18 =	ssub.s32 @!p1 $0x14, s18;
	s17 =	ssub.s32 @!p1 s19, s17  }
0x2d: {  	p2 =	por !p2, p1;
	s16 =	ssub.s32 @!p1 s20, s16;
	s20 =	sadd.s32 @!p1 $0xFFFFF080, s17  }
0x2e: {  	s18 =	simm.s32 @!p2 $0x0;
	p3 =	sgt.s32 @!p1 s20, $0x7F  }
0x2f: {  	s19 =	sadd.s32 @!p1 $0xFFFFFF40, s16;
	s17 =	ssub.s32 @!p1 $0x1000, s17;
	p3 =	por !p3, p1  }
0x30: {  	p2 =	sgt.s32 @!p1 s19, $0x7F;
	s19 =	sadd.s32 $0x80, s12;
	s17 =	simm.s32 @!p3 $0x0  }
0x31: {  	p3 =	sgt.s32 s19, $0x13B;
	s17 =	smul.u32 @!p1 s17, s18;
	s18 =	simm.s32 $0x1  }
0x32: {  	s16 =	ssub.s32 @!p1 $0x140, s16;
	p2 =	por !p2, p1;
	s18 =	simm.s32 @!p3 $0x0  }
0x33: {  	s21 =	smov.u32 s14;
	s16 =	simm.s32 @!p2 $0x0;
	s20 =	sadd.s32 s18, s13  }
0x34: {  	s16 =	smul.u32 @!p1 s16, s17;
	s17 =	sadd.s32 $0x1000, s14;
	p2 =	sgt.s32 s20, $0x13  }
0x35: {  	p0 =	por !p0, !p0;
	s22 =	simm.s32 @!p1 $0x2;
	s21 =	smov.u32 @p2 s17  }
0x36: {  	s19 =	simm.s32 @p3 $0x0;
	s20 =	simm.s32 @p2 $0x0;
	p2 =	sgt.s32 s21, $0xFFF  }
0x37: {  	s18 =	smov.u32 s10;
	s21 =	smov.u32 @p2 s2;
	p2 =	sne.s32 s15, s7  }
.Ltmp1:
0x38: {  	s10 =	smov.u32 s13;
	s16 =	sand.u32 @!p1 $0x3FFFFFFF, s16;
	(pc) =	sbr.rel @!p2 .LBB1_6-.Ltmp1, $4  }
0x39: {  	s17 =	smov.u32 s11;
	s11 =	smov.u32 s14;
	_ =	swait.ge @!p1 [sflag:s22], s16  }
0x3a: {  	s23 =	ssub.s32 @!p1 $0x0, s16;
	s16 =	smov.u32 s9;
	s9 =	smov.u32 s12  }
0x3b: {  	s12 =	smov.u32 s19;
	s13 =	smov.u32 s20;
	[sflag:s22] =	ssyncset.done @!p1 $0x0  }
0x3c: {  	s15 =	sadd.s32 $0x1, s15;
	[sflag:s22] =	ssyncadd.s32 @!p1 s23;
	s14 =	smov.u32 s21  }
.LBB1_1:
0x3d: {  	p1 =	sge.u32 s15, s5  }
0x3e: {  	s19 =	sshrl.u32 @!p1 s13, $0x3  }
0x3f: {  	s20 =	sshll.u32 @!p1 s12, $0x3;
	s19 =	smul.u32 @!p1 $0xC00, s19  }
0x40: {  	s21 =	sshll.u32 @!p1 s13, $0x7;
	s20 =	sand.u32 @!p1 $0xFFFFFC00, s20  }
0x41: {  	s19 =	sadd.s32 @!p1 s19, s20;
	s20 =	sand.u32 @!p1 $0x380, s21  }
0x42: {  	s19 =	sor.u32 @!p1 s20, s19  }
0x43: {  	s20 =	sand.u32 @!p1 $0x7F, s12;
	s21 =	smulhi.u32 @!p1 $0xAAAAAAAB, s19  }
0x44: {  	s19 =	sor.u32 @!p1 s20, s19  }
0x45: {  	s20 =	smulhi.u32 @!p1 $0xAAAAAAAB, s19;
	s21 =	sshrl.u32 @!p1 s21, $0x8  }
0x46: {  	s22 =	smulhi.u32 @!p1 $0xAAAAAAB, s21;
	_ =	sdelay $0x1  }
0x47: {  	s20 =	sshrl.u32 @!p1 s20, $0x8;
	s22 =	smul.u32 @!p1 $0x18, s22  }
0x48: {  	s31 =	sadd.s32 $0xFFFFFFFF, s15;
	s20 =	smul.u32 @!p1 $0x180, s20  }
0x49: {  	s23 =	sxor.u32 @!p1 $0xFFFFFFFF, s15;
	s21 =	ssub.s32 @!p1 s21, s22;
	s22 =	smul.u32 @!p1 $0x480, s14  }
0x4a: {  	s23 =	sshll.u32 @!p1 s23, $0xE;
	s19 =	ssub.s32 @!p1 s19, s20;
	s20 =	smul.u32 @!p1 $0x30, s21  }
0x4b: {  	s21 =	sand.u32 @!p1 $0x4000, s23;
	s23 =	sand.u32 @!p1 $0x7, s19;
	s22 =	sadd.s32 @!p1 s6, s22  }
0x4c: {  	s19 =	sshrl.u32 @!p1 s19, $0x3;
	s20 =	sadd.s32 @!p1 s20, s22;
	s22 =	sshll.u32 @!p1 s23, $0x12  }
0x4d: {  	s19 =	sadd.s32 @!p1 s19, s20;
	s20 =	sor.u32 @!p1 $0x80, s22;
	s22 =	simm.s32 @!p1 $0x2400  }
0x4e: {  	[tilespmem:s21], [sflag:$0x1] =	stream.strided.gather @!p1 [hbm4b:s19+s20], $0x4000, s22, s20, $0x38;
	[tilespmem:$0x10100] =	vst v63  }
0x4f: {  	p1 =	sge.u32 s31, s5  }
.Ltmp2:
0x50: {  	_ = 	snop;
	(pc) =	sbr.rel @p1 .LBB1_5-.Ltmp2, $1  }
0x51: {  	_ =	sdelay $0x3  }
0x52: {  	s19 =	simm.s32 $0x1  }
0x53: {  	_ =	swait.ge [sflag:s4], $0x4000;
	s19 =	simm.s32 @!p0 $0x0  }
0x54: {  	[sflag:s4] =	ssyncset.done $0x0;
	s20 =	sshll.u32 s19, $0xE  }
0x55: {  	[sflag:s4] =	ssyncadd.s32 $0xFFFFC000;
	s20 =	sor.u32 $0x40, s20  }
0x56: {  	s19 =	smul.u32 $0x10200, s19;
	v0 =	vld [tilespmem:s20+$0x30]  }
0x57: {  	v1 =	vld [tilespmem:s20+$0xFFFFFFD0]  }
0x58: {  	s19 =	sshrl.u32 s19, $0x2;
	v5 =	vld [tilespmem:s20+$0xFFFFFFE0]  }
0x59: {  	v6 =	vld [tilespmem:s20+$0xFFFFFFF0];
	s22 =	sor.u32 $0x8000, s19  }
0x5a: {  	s31 =	sand.u32 $0x1, s15;
	v4 =	vld [tilespmem:s20+$0x0];
	s21 =	sadd.s32 $0x0, s22  }
0x5b: {  	v3 =	vld [tilespmem:s20+$0x10];
	s19 =	smul.u32 $0x10200, s31;
	[tilespmem:s21+$0x3870 ss:$0x81] =	vst.msk $0xffff, v0  }
0x5c: {  	v2 =	vld [tilespmem:s20+$0x20];
	[tilespmem:s21+$0x810 ss:$0x81] =	vst.msk $0xffff, v1  }
0x5d: {  	s19 =	sshrl.u32 s19, $0x2;
	v1 =	vld [tilespmem:s20+$0xFFFFFFC0];
	[tilespmem:s21+$0x1020 ss:$0x81] =	vst.msk $0xffff, v5;
	s20 =	sadd.s32 $0x80, s20  }
0x5e: {  	s23 =	simm.s32 $0x4;
	s24 =	simm.s32 $0x8;
	s19 =	sor.u32 $0x8000, s19;
	[tilespmem:s21+$0x1830 ss:$0x81] =	vst.msk $0xffff, v6;
	v0 =	vld [tilespmem:s20+$0x30]  }
.LBB1_3:
0x5f: {  	p1 =	sne.s32 s24, $0x1FC;
	v5 =	vld [tilespmem:s20+$0xFFFFFFD0];
	[tilespmem:s21+$0x2040 ss:$0x81] =	vst.msk $0xffff, v4  }
0x60: {  	v6 =	vld [tilespmem:s20+$0xFFFFFFE0];
	[tilespmem:s21+$0x2850 ss:$0x81] =	vst.msk $0xffff, v3  }
0x61: {  	s25 =	sshra.s32 s23, $0x2;
	s23 =	smov.u32 s24;
	v7 =	vld [tilespmem:s20+$0xFFFFFFF0];
	[tilespmem:s21+$0x3060 ss:$0x81] =	vst.msk $0xffff, v2  }
.Ltmp3:
0x62: {  	v4 =	vld [tilespmem:s20+$0x0];
	[tilespmem:s21+$0x0 ss:$0x81] =	vst.msk $0xffff, v1;
	s21 =	sadd.s32 s25, s22;
	(pc) =	sbr.rel @p1 .LBB1_3-.Ltmp3, $4  }
0x63: {  	v3 =	vld [tilespmem:s20+$0x10];
	[tilespmem:s21+$0x3870 ss:$0x81] =	vst.msk $0xffff, v0  }
0x64: {  	[tilespmem:s21+$0x810 ss:$0x81] =	vst.msk $0xffff, v5;
	v2 =	vld [tilespmem:s20+$0x20]  }
0x65: {  	v1 =	vld [tilespmem:s20+$0xFFFFFFC0];
	[tilespmem:s21+$0x1020 ss:$0x81] =	vst.msk $0xffff, v6;
	s20 =	sadd.s32 $0x80, s20  }
0x66: {  	s24 =	sadd.s32 $0x4, s24;
	v0 =	vld [tilespmem:s20+$0x30];
	[tilespmem:s21+$0x1830 ss:$0x81] =	vst.msk $0xffff, v7  }
.Ltmp4:
0x67: {  	_ = 	snop;
	(pc) =	sbr.rel .LBB1_4-.Ltmp4, $1  }
0x68: {  	_ =	sdelay $0x3  }
.LBB1_6:
0x69: {  	_ =	sfence.sel $0x180000  }
0x6a: {  	s2 =	simm.s32 $0x1;
	[bflag:$0x0] =	sbarrier.arrive $0xFFFF  }
0x6b: {  	s31 =	simm.s32 $0x2;
	[sflag:s2] =	ssyncpa.u1 $0x1  }
0x6c: {  	[sflag:s31] =	ssyncpa.u1 $0x1  }
0x6d: {  	p0 =	sne.s32 s0, $0x0;
	_ =	strace $0x9000004A  }
0x6e: {  	s0 =	sadd.s32 @!p0 $0x100000, s1;
	[bflag:$0x2] =	sbarrier.arrive $0xFFFF  }
0x6f: {  	[sflag:s0] =	ssyncadd.tile.s32 @!p0 $0x1;
	_ =	shalt  }
.Lfunc_end1:
_tile_overlayer_lowered:
.L_overlay_start_2:
0x70: {  	(tag) =	ssettag $0x2  }
0x71: {  	s0 =	rddreg [dreg:$0x0];
	s2 =	stileid.u32  }
0x72: {  	s1 =	rddreg [dreg:$0x1];
	p0 =	sne.s32 s2, $0x0  }
0x73: {  	s3 =	rddreg [dreg:$0x2];
	[bflag:$0x3] =	sbarrier.arrive $0xFFFF;
	s2 =	simm.s32 @!p0 $0x1C01  }
0x74: {  	[timem:s3], [sflag:s2] =	dma.local @!p0 [hbm:s0], s1  }
0x75: {  	s0 =	simm.s32 @!p0 $0x1  }
0x76: {  	_ =	swait.ge @!p0 [sflag:s0], s1  }
0x77: {  	s1 =	ssub.s32 @!p0 $0x0, s1;
	[sflag:s0] =	ssyncset.done @!p0 $0x0  }
0x78: {  	[sflag:s0] =	ssyncadd.s32 @!p0 s1  }
0x79: {  	[bflag:$0x3] =	sbarrier.arrive $0xFFFF  }
0x7a: {  	_ =	shalt  }

</sc_bundles>
